<compile_context>
chip_gen: v7x
topology: tpu7x:2x2x1
jax: 0.10.2.dev20260603
libtpu: 0.0.44.dev20260713+nightly
codegen_flags: <defaults>
</compile_context>

<pallas_src>
import functools

import jax
import jax.numpy as jnp
from jax import lax
from jax.experimental import pallas as pl
from jax.experimental.pallas import tpu as pltpu
from jax.experimental.pallas import tpu_sc as plsc

_NCORES = 2
_NSUB = 16
_NW = _NCORES * _NSUB
_C = 80


def _make_agg(n, npad, d, nchunk, compute_deg):
    mesh = plsc.VectorSubcoreMesh(core_axis_name="c", subcore_axis_name="s")
    rows_per_tile = npad // _NSUB

    out_type = [jax.ShapeDtypeStruct((_NCORES, npad, d), jnp.float32)]
    scratch = [
        pltpu.VMEM((nchunk, _C), jnp.int32),
        pltpu.VMEM((nchunk, _C), jnp.int32),
        pltpu.VMEM((_C, d), jnp.float32),
        pltpu.VMEM((16, d), jnp.float32),
        pltpu.VMEM_SHARED((npad, d), jnp.float32),
    ]
    if compute_deg:
        out_type.append(jax.ShapeDtypeStruct((_NCORES, npad), jnp.float32))
        scratch.append(pltpu.VMEM((_C,), jnp.float32))
        scratch.append(pltpu.VMEM_SHARED((npad,), jnp.float32))

    def body(h_hbm, src_hbm, dst_hbm, acc_hbm, *rest):
        if compute_deg:
            deg_hbm, src_v, dst_v, rows_v, zero_v, acc_sh, ones_v, deg_sh = rest
        else:
            src_v, dst_v, rows_v, zero_v, acc_sh = rest
        cid = lax.axis_index("c")
        tid = lax.axis_index("s")
        w = cid * _NSUB + tid
        base = tid * rows_per_tile

        @pl.loop(0, 16)
        def _(r):
            @pl.loop(0, d // 16)
            def _(k):
                zero_v[r, pl.ds(k * 16, 16)] = jnp.zeros((16,), jnp.float32)

        if compute_deg:
            @pl.loop(0, _C // 16)
            def _(k):
                ones_v[pl.ds(k * 16, 16)] = jnp.ones((16,), jnp.float32)

        @pl.loop(0, rows_per_tile // 16)
        def _(r):
            pltpu.sync_copy(zero_v, acc_sh.at[pl.ds(base + r * 16, 16)])
        if compute_deg:
            @pl.loop(0, rows_per_tile // d)
            def _(r):
                pltpu.sync_copy(zero_v.at[0], deg_sh.at[pl.ds(base + r * d, d)])
        plsc.subcore_barrier()

        pltpu.sync_copy(src_hbm.at[w], src_v)
        pltpu.sync_copy(dst_hbm.at[w], dst_v)

        @pl.loop(0, nchunk)
        def _(j):
            pltpu.sync_copy(h_hbm.at[src_v.at[j]], rows_v)
            pltpu.sync_copy(rows_v, acc_sh.at[dst_v.at[j]], add=True)
            if compute_deg:
                pltpu.sync_copy(ones_v, deg_sh.at[dst_v.at[j]], add=True)

        plsc.subcore_barrier()
        pltpu.sync_copy(acc_sh.at[pl.ds(base, rows_per_tile)],
                        acc_hbm.at[cid, pl.ds(base, rows_per_tile)])
        if compute_deg:
            pltpu.sync_copy(deg_sh.at[pl.ds(base, rows_per_tile)],
                            deg_hbm.at[cid, pl.ds(base, rows_per_tile)])

    return pl.kernel(body, out_type=tuple(out_type), mesh=mesh,
                     scratch_types=scratch)


def _layer_body(relu, a0_ref, a1_ref, d0_ref, d1_ref, h_ref, wl_ref, wr_ref,
                b_ref, out_ref):
    agg = a0_ref[0] + a1_ref[0]
    deg = jnp.maximum(d0_ref[0] + d1_ref[0], 1.0)
    dn = (((1,), (1,)), ((), ()))
    z = lax.dot_general(agg / deg, wl_ref[...], dn,
                        precision=lax.Precision.HIGHEST)
    z = z + lax.dot_general(h_ref[...], wr_ref[...], dn,
                            precision=lax.Precision.HIGHEST)
    z = z + b_ref[...]
    out_ref[...] = jnp.maximum(z, 0.0) if relu else z


def _layer(accP, degP, h, Wl, Wr, b, relu):
    n, d = h.shape
    r = 400
    return pl.pallas_call(
        functools.partial(_layer_body, relu),
        grid=(n // r,),
        in_specs=[
            pl.BlockSpec((1, r, d), lambda i: (0, i, 0)),
            pl.BlockSpec((1, r, d), lambda i: (1, i, 0)),
            pl.BlockSpec((1, r, 1), lambda i: (0, i, 0)),
            pl.BlockSpec((1, r, 1), lambda i: (1, i, 0)),
            pl.BlockSpec((r, d), lambda i: (i, 0)),
            pl.BlockSpec((d, d), lambda i: (0, 0)),
            pl.BlockSpec((d, d), lambda i: (0, 0)),
            pl.BlockSpec((1, d), lambda i: (0, 0)),
        ],
        out_specs=pl.BlockSpec((r, d), lambda i: (i, 0)),
        out_shape=jax.ShapeDtypeStruct((n, d), jnp.float32),
    )(accP, accP, degP, degP, h, Wl, Wr, b)


def kernel(x, edge_index, W1l, W1r, b1, W2l, W2r, b2, W3l, W3r, b3):
    n, d = x.shape
    e = edge_index.shape[1]
    per_w = e // _NW
    nchunk = per_w // _C
    npad = ((n + 2047) // 2048) * 2048

    src = edge_index[0].reshape(_NW, nchunk, _C)
    dst = edge_index[1].reshape(_NW, nchunk, _C)

    agg_deg = _make_agg(n, npad, d, nchunk, True)
    agg = _make_agg(n, npad, d, nchunk, False)

    accP, degP = agg_deg(x, src, dst)
    degP = degP.reshape(_NCORES, npad, 1)
    h = _layer(accP, degP, x, W1l, W1r, b1.reshape(1, d), True)
    accP = agg(h, src, dst)
    accP = accP[0] if isinstance(accP, (tuple, list)) else accP
    h = _layer(accP, degP, h, W2l, W2r, b2.reshape(1, d), True)
    accP = agg(h, src, dst)
    accP = accP[0] if isinstance(accP, (tuple, list)) else accP
    return _layer(accP, degP, h, W3l, W3r, b3.reshape(1, d), False)

# --- scband reference (transcript-rebuilt; emitter-appended) ---
"""Pipeline reference for scband-graph-sagemodel-18098992185492 (READ-ONLY COPY).

The authoritative reference and input builder live on the scoring server;
editing this copy changes nothing except your own understanding.
"""

import jax, jax.numpy as jnp
import numpy as np

N = 10000
E = 320000
D_IN = 128
D_HID = 128
D_OUT = 128


def _lin(k, out_d, in_d):
    return jax.random.normal(k, (out_d, in_d), dtype=jnp.float32) * (1.0 / np.sqrt(in_d))


def setup_inputs(seed: int = 0) -> dict:
    key = jax.random.key(seed)
    ks = jax.random.split(key, 12)
    x = jax.random.normal(ks[0], (N, D_IN), dtype=jnp.float32)
    edge_index = jax.random.randint(ks[1], (2, E), 0, N, dtype=jnp.int32)
    return {
        "x": x,
        "edge_index": edge_index,
        # layer 1: SAGEConv(D_IN -> D_HID); lin_l acts on aggregated neighbors (has bias), lin_r on root (no bias)
        "W1l": _lin(ks[2], D_HID, D_IN),
        "W1r": _lin(ks[3], D_HID, D_IN),
        "b1": jnp.zeros((D_HID,), dtype=jnp.float32),
        # layer 2: SAGEConv(D_HID -> D_HID)
        "W2l": _lin(ks[4], D_HID, D_HID),
        "W2r": _lin(ks[5], D_HID, D_HID),
        "b2": jnp.zeros((D_HID,), dtype=jnp.float32),
        # layer 3: SAGEConv(D_HID -> D_OUT)
        "W3l": _lin(ks[6], D_OUT, D_HID),
        "W3r": _lin(ks[7], D_OUT, D_HID),
        "b3": jnp.zeros((D_OUT,), dtype=jnp.float32),
    }


def _sage_conv(x, edge_index, Wl, Wr, b):
    # PyG SAGEConv with mean aggregation:
    #   out = lin_l(mean_{j in N(i)} x_j) + lin_r(x_i)
    src = edge_index[0]
    dst = edge_index[1]
    n = x.shape[0]
    msg = jnp.take(x, src, axis=0)                       # gather (SparseCore)
    agg = jax.ops.segment_sum(msg, dst, num_segments=n)  # scatter-add
    deg = jax.ops.segment_sum(jnp.ones((edge_index.shape[1],), dtype=x.dtype), dst, num_segments=n)
    agg = agg / jnp.clip(deg, 1.0, None)[:, None]
    return agg @ Wl.T + x @ Wr.T + b


def reference(x, edge_index, W1l, W1r, b1, W2l, W2r, b2, W3l, W3r, b3):
    # eval mode: Dropout(0.5) is identity
    h = _sage_conv(x, edge_index, W1l, W1r, b1)
    h = jax.nn.relu(h)
    h = _sage_conv(h, edge_index, W2l, W2r, b2)
    h = jax.nn.relu(h)
    out = _sage_conv(h, edge_index, W3l, W3r, b3)
    return out

if __name__ == "__main__":
    import jax
    _d = setup_inputs()
    print(jax.jit(kernel)(*tuple(_d.values())))

</pallas_src>

<mosaic_0001>
#map = affine_map<(d0, d1) -> (0, 0)>
#map1 = affine_map<(d0, d1) -> (0, 0, 0)>
module attributes {stable_mosaic.version = 14 : i64} {
  func.func @body(%arg0: i32, %arg1: i32, %arg2: memref<10000x128xf32, #tpu.memory_space<hbm>>, %arg3: memref<32x125x80xi32, #tpu.memory_space<hbm>>, %arg4: memref<32x125x80xi32, #tpu.memory_space<hbm>>, %arg5: memref<2x10240x128xf32, #tpu.memory_space<hbm>>, %arg6: memref<125x80xi32, #tpu.memory_space<vmem>>, %arg7: memref<125x80xi32, #tpu.memory_space<vmem>>, %arg8: memref<80x128xf32, #tpu.memory_space<vmem>>, %arg9: memref<16x128xf32, #tpu.memory_space<vmem>>, %arg10: memref<10240x128xf32, #tpu.memory_space<vmem_shared>>) attributes {dimension_semantics = [#tpu.dimension_semantics<core_parallel>, #tpu.dimension_semantics<subcore_parallel>], iteration_bounds = array<i64: 2, 16>, scalar_prefetch = 0 : i64, scratch_operands = 5 : i64, tpu.core_type = #tpu.core_type<sc_vector_subcore>, window_params = [{transform_indices = #map}, {transform_indices = #map1}, {transform_indices = #map1}, {transform_indices = #map1}]} {
    %mul3A = arith.constant 16 : i32
    %mul3A_0 = arith.muli %arg0, %mul3A : i32
    %add3A = arith.addi %mul3A_0, %arg1 : i32
    %mul3A_1 = arith.constant 640 : i32
    %mul3A_2 = arith.muli %arg1, %mul3A_1 : i32
    %scan3A = arith.constant 0 : i32
    %scan3A_3 = arith.constant 16 : i32
    %scan3A_4 = arith.addi %scan3A, %scan3A_3 : i32
    %scan3A_5 = arith.constant 1 : i32
    scf.for %scan3A_18 = %scan3A to %scan3A_4 step %scan3A_5  : i32 {
      %mul3A_19 = arith.constant 1 : i32
      %mul3A_20 = arith.muli %scan3A_18, %mul3A_19 : i32
      %add3A_21 = arith.constant 0 : i32
      %add3A_22 = arith.addi %add3A_21, %mul3A_20 : i32
      %scan3A_23 = arith.constant 0 : i32
      %scan3A_24 = arith.constant 8 : i32
      %scan3A_25 = arith.addi %scan3A_23, %scan3A_24 : i32
      %scan3A_26 = arith.constant 1 : i32
      scf.for %scan3A_28 = %scan3A_23 to %scan3A_25 step %scan3A_26  : i32 {
        %mul3A_29 = arith.constant 1 : i32
        %mul3A_30 = arith.muli %scan3A_28, %mul3A_29 : i32
        %add3A_31 = arith.constant 0 : i32
        %add3A_32 = arith.addi %add3A_31, %mul3A_30 : i32
        %broadcast_in_dim3A = arith.constant 0.000000e+00 : f32
        %broadcast_in_dim3A_33 = vector.broadcast %broadcast_in_dim3A : f32 to vector<16xf32>
        %mul3A_34 = arith.constant 16 : i32
        %mul3A_35 = arith.muli %add3A_32, %mul3A_34 : i32
        %swap3A = arith.index_cast %add3A_22 : i32 to index
        %swap3A_36 = arith.index_cast %mul3A_35 : i32 to index
        %swap3A_37 = tpu.vector_load %arg9[%swap3A, %swap3A_36] {strides = array<i32>} : memref<16x128xf32, #tpu.memory_space<vmem>>, vector<1x16xf32>,
        %swap3A_38 = vector.shape_cast %swap3A_37 : vector<1x16xf32> to vector<16xf32>
        %swap3A_39 = vector.shape_cast %broadcast_in_dim3A_33 : vector<16xf32> to vector<1x16xf32>
        tpu.vector_store %arg9[%swap3A, %swap3A_36], %swap3A_39 {strides = array<i32>} : memref<16x128xf32, #tpu.memory_space<vmem>>, vector<1x16xf32>,
      }
      %scan3A_27 = arith.constant 8 : i32
    }
    %scan3A_6 = arith.constant 16 : i32
    %scan3A_7 = arith.constant 0 : i32
    %scan3A_8 = arith.constant 40 : i32
    %scan3A_9 = arith.addi %scan3A_7, %scan3A_8 : i32
    %scan3A_10 = arith.constant 1 : i32
    scf.for %scan3A_18 = %scan3A_7 to %scan3A_9 step %scan3A_10  : i32 {
      %mul3A_19 = arith.constant 1 : i32
      %mul3A_20 = arith.muli %scan3A_18, %mul3A_19 : i32
      %add3A_21 = arith.constant 0 : i32
      %add3A_22 = arith.addi %add3A_21, %mul3A_20 : i32
      %mul3A_23 = arith.constant 16 : i32
      %mul3A_24 = arith.muli %add3A_22, %mul3A_23 : i32
      %add3A_25 = arith.addi %mul3A_2, %mul3A_24 : i32
      "tpu.region"() ({
        %run_scoped3A = tpu.sem_alloc : memref<!tpu.dma_semaphore, #tpu.memory_space<semaphore_mem>>
        %dma_start3A = arith.constant 0 : i32
        %dma_start3A_26 = tpu.memref_slice %arg10[%add3A_25, %dma_start3A] : memref<10240x128xf32, #tpu.memory_space<vmem_shared>> -> memref<16x128xf32, #tpu.memory_space<vmem_shared>>
        %dma_start3A_27 = arith.constant 0 : i32
        %dma_start3A_28 = tpu.memref_slice %arg10[%add3A_25, %dma_start3A_27] : memref<10240x128xf32, #tpu.memory_space<vmem_shared>> -> memref<16x128xf32, #tpu.memory_space<vmem_shared>>
        tpu.enqueue_dma source(%arg9 : memref<16x128xf32, #tpu.memory_space<vmem>>) target(%dma_start3A_28 : memref<16x128xf32, #tpu.memory_space<vmem_shared>>) target_semaphore(%run_scoped3A : memref<!tpu.dma_semaphore, #tpu.memory_space<semaphore_mem>>)
        %dma_wait3A = arith.constant 0 : i32
        %dma_wait3A_29 = tpu.memref_slice %arg10[%add3A_25, %dma_wait3A] : memref<10240x128xf32, #tpu.memory_space<vmem_shared>> -> memref<16x128xf32, #tpu.memory_space<vmem_shared>>
        %dma_wait3A_30 = arith.constant 0 : i32
        %dma_wait3A_31 = tpu.memref_slice %arg10[%add3A_25, %dma_wait3A_30] : memref<10240x128xf32, #tpu.memory_space<vmem_shared>> -> memref<16x128xf32, #tpu.memory_space<vmem_shared>>
        tpu.wait_dma2 semaphore(%run_scoped3A : memref<!tpu.dma_semaphore, #tpu.memory_space<semaphore_mem>>) src(%arg9 : memref<16x128xf32, #tpu.memory_space<vmem>>) dst(%dma_wait3A_31 : memref<16x128xf32, #tpu.memory_space<vmem_shared>>)
        tpu.yield
      }) : () -> ()
    }
    %scan3A_11 = arith.constant 40 : i32
    %barrier3A = arith.constant 0 : index
    tpu.barrier barrier_id(%barrier3A)
    "tpu.region"() ({
      %run_scoped3A = tpu.sem_alloc : memref<!tpu.dma_semaphore, #tpu.memory_space<semaphore_mem>>
      %dma_start3A = arith.constant 0 : i32
      %dma_start3A_18 = arith.constant 0 : i32
      %dma_start3A_19 = tpu.memref_slice %arg3[%add3A, %dma_start3A, %dma_start3A_18] : memref<32x125x80xi32, #tpu.memory_space<hbm>> -> memref<1x125x80xi32, #tpu.memory_space<hbm>>
      %dma_start3A_20 = tpu.memref_squeeze %dma_start3A_19 : memref<1x125x80xi32, #tpu.memory_space<hbm>> -> memref<125x80xi32, #tpu.memory_space<hbm>>
      %dma_start3A_21 = arith.constant 0 : i32
      %dma_start3A_22 = arith.constant 0 : i32
      %dma_start3A_23 = tpu.memref_slice %arg3[%add3A, %dma_start3A_21, %dma_start3A_22] : memref<32x125x80xi32, #tpu.memory_space<hbm>> -> memref<1x125x80xi32, #tpu.memory_space<hbm>>
      %dma_start3A_24 = tpu.memref_squeeze %dma_start3A_23 : memref<1x125x80xi32, #tpu.memory_space<hbm>> -> memref<125x80xi32, #tpu.memory_space<hbm>>
      tpu.enqueue_dma source(%dma_start3A_24 : memref<125x80xi32, #tpu.memory_space<hbm>>) target(%arg6 : memref<125x80xi32, #tpu.memory_space<vmem>>) target_semaphore(%run_scoped3A : memref<!tpu.dma_semaphore, #tpu.memory_space<semaphore_mem>>)
      %dma_wait3A = arith.constant 0 : i32
      %dma_wait3A_25 = arith.constant 0 : i32
      %dma_wait3A_26 = tpu.memref_slice %arg3[%add3A, %dma_wait3A, %dma_wait3A_25] : memref<32x125x80xi32, #tpu.memory_space<hbm>> -> memref<1x125x80xi32, #tpu.memory_space<hbm>>
      %dma_wait3A_27 = tpu.memref_squeeze %dma_wait3A_26 : memref<1x125x80xi32, #tpu.memory_space<hbm>> -> memref<125x80xi32, #tpu.memory_space<hbm>>
      %dma_wait3A_28 = arith.constant 0 : i32
      %dma_wait3A_29 = arith.constant 0 : i32
      %dma_wait3A_30 = tpu.memref_slice %arg3[%add3A, %dma_wait3A_28, %dma_wait3A_29] : memref<32x125x80xi32, #tpu.memory_space<hbm>> -> memref<1x125x80xi32, #tpu.memory_space<hbm>>
      %dma_wait3A_31 = tpu.memref_squeeze %dma_wait3A_30 : memref<1x125x80xi32, #tpu.memory_space<hbm>> -> memref<125x80xi32, #tpu.memory_space<hbm>>
      tpu.wait_dma2 semaphore(%run_scoped3A : memref<!tpu.dma_semaphore, #tpu.memory_space<semaphore_mem>>) src(%dma_wait3A_31 : memref<125x80xi32, #tpu.memory_space<hbm>>) dst(%arg6 : memref<125x80xi32, #tpu.memory_space<vmem>>)
      tpu.yield
    }) : () -> ()
    "tpu.region"() ({
      %run_scoped3A = tpu.sem_alloc : memref<!tpu.dma_semaphore, #tpu.memory_space<semaphore_mem>>
      %dma_start3A = arith.constant 0 : i32
      %dma_start3A_18 = arith.constant 0 : i32
      %dma_start3A_19 = tpu.memref_slice %arg4[%add3A, %dma_start3A, %dma_start3A_18] : memref<32x125x80xi32, #tpu.memory_space<hbm>> -> memref<1x125x80xi32, #tpu.memory_space<hbm>>
      %dma_start3A_20 = tpu.memref_squeeze %dma_start3A_19 : memref<1x125x80xi32, #tpu.memory_space<hbm>> -> memref<125x80xi32, #tpu.memory_space<hbm>>
      %dma_start3A_21 = arith.constant 0 : i32
      %dma_start3A_22 = arith.constant 0 : i32
      %dma_start3A_23 = tpu.memref_slice %arg4[%add3A, %dma_start3A_21, %dma_start3A_22] : memref<32x125x80xi32, #tpu.memory_space<hbm>> -> memref<1x125x80xi32, #tpu.memory_space<hbm>>
      %dma_start3A_24 = tpu.memref_squeeze %dma_start3A_23 : memref<1x125x80xi32, #tpu.memory_space<hbm>> -> memref<125x80xi32, #tpu.memory_space<hbm>>
      tpu.enqueue_dma source(%dma_start3A_24 : memref<125x80xi32, #tpu.memory_space<hbm>>) target(%arg7 : memref<125x80xi32, #tpu.memory_space<vmem>>) target_semaphore(%run_scoped3A : memref<!tpu.dma_semaphore, #tpu.memory_space<semaphore_mem>>)
      %dma_wait3A = arith.constant 0 : i32
      %dma_wait3A_25 = arith.constant 0 : i32
      %dma_wait3A_26 = tpu.memref_slice %arg4[%add3A, %dma_wait3A, %dma_wait3A_25] : memref<32x125x80xi32, #tpu.memory_space<hbm>> -> memref<1x125x80xi32, #tpu.memory_space<hbm>>
      %dma_wait3A_27 = tpu.memref_squeeze %dma_wait3A_26 : memref<1x125x80xi32, #tpu.memory_space<hbm>> -> memref<125x80xi32, #tpu.memory_space<hbm>>
      %dma_wait3A_28 = arith.constant 0 : i32
      %dma_wait3A_29 = arith.constant 0 : i32
      %dma_wait3A_30 = tpu.memref_slice %arg4[%add3A, %dma_wait3A_28, %dma_wait3A_29] : memref<32x125x80xi32, #tpu.memory_space<hbm>> -> memref<1x125x80xi32, #tpu.memory_space<hbm>>
      %dma_wait3A_31 = tpu.memref_squeeze %dma_wait3A_30 : memref<1x125x80xi32, #tpu.memory_space<hbm>> -> memref<125x80xi32, #tpu.memory_space<hbm>>
      tpu.wait_dma2 semaphore(%run_scoped3A : memref<!tpu.dma_semaphore, #tpu.memory_space<semaphore_mem>>) src(%dma_wait3A_31 : memref<125x80xi32, #tpu.memory_space<hbm>>) dst(%arg7 : memref<125x80xi32, #tpu.memory_space<vmem>>)
      tpu.yield
    }) : () -> ()
    %scan3A_12 = arith.constant 0 : i32
    %scan3A_13 = arith.constant 125 : i32
    %scan3A_14 = arith.addi %scan3A_12, %scan3A_13 : i32
    %scan3A_15 = arith.constant 1 : i32
    scf.for %scan3A_18 = %scan3A_12 to %scan3A_14 step %scan3A_15  : i32 {
      %mul3A_19 = arith.constant 1 : i32
      %mul3A_20 = arith.muli %scan3A_18, %mul3A_19 : i32
      %add3A_21 = arith.constant 0 : i32
      %add3A_22 = arith.addi %add3A_21, %mul3A_20 : i32
      "tpu.region"() ({
        %run_scoped3A = tpu.sem_alloc : memref<!tpu.dma_semaphore, #tpu.memory_space<semaphore_mem>>
        %dma_start3A = arith.constant 0 : i32
        %dma_start3A_23 = tpu.memref_slice %arg6[%add3A_22, %dma_start3A] : memref<125x80xi32, #tpu.memory_space<vmem>> -> memref<1x80xi32, #tpu.memory_space<vmem>>
        %dma_start3A_24 = tpu.memref_squeeze %dma_start3A_23 : memref<1x80xi32, #tpu.memory_space<vmem>> -> memref<80xi32, #tpu.memory_space<vmem>>
        %dma_start3A_25 = arith.constant 0 : i32
        %dma_start3A_26 = arith.constant 0 : i32
        %dma_start3A_27 = tpu.memref_slice %arg2[%dma_start3A_25, %dma_start3A_26] : memref<10000x128xf32, #tpu.memory_space<hbm>> -> memref<10000x128xf32, #tpu.memory_space<hbm>>
        tpu.enqueue_indirect_dma source(%dma_start3A_27 : memref<10000x128xf32, #tpu.memory_space<hbm>>) target(%arg8 : memref<80x128xf32, #tpu.memory_space<vmem>>) offsets(%dma_start3A_24 : memref<80xi32, #tpu.memory_space<vmem>>) semaphore(%run_scoped3A : memref<!tpu.dma_semaphore, #tpu.memory_space<semaphore_mem>>)
        %dma_wait3A = arith.constant 0 : i32
        %dma_wait3A_28 = tpu.memref_slice %arg6[%add3A_22, %dma_wait3A] : memref<125x80xi32, #tpu.memory_space<vmem>> -> memref<1x80xi32, #tpu.memory_space<vmem>>
        %dma_wait3A_29 = tpu.memref_squeeze %dma_wait3A_28 : memref<1x80xi32, #tpu.memory_space<vmem>> -> memref<80xi32, #tpu.memory_space<vmem>>
        %dma_wait3A_30 = arith.constant 0 : i32
        %dma_wait3A_31 = arith.constant 0 : i32
        %dma_wait3A_32 = tpu.memref_slice %arg2[%dma_wait3A_30, %dma_wait3A_31] : memref<10000x128xf32, #tpu.memory_space<hbm>> -> memref<10000x128xf32, #tpu.memory_space<hbm>>
        tpu.wait_indirect_dma semaphore(%run_scoped3A : memref<!tpu.dma_semaphore, #tpu.memory_space<semaphore_mem>>) src(%dma_wait3A_32 : memref<10000x128xf32, #tpu.memory_space<hbm>>) dst(%arg8 : memref<80x128xf32, #tpu.memory_space<vmem>>)
        tpu.yield
      }) : () -> ()
      "tpu.region"() ({
        %run_scoped3A = tpu.sem_alloc : memref<!tpu.dma_semaphore, #tpu.memory_space<semaphore_mem>>
        %dma_start3A = arith.constant 0 : i32
        %dma_start3A_23 = tpu.memref_slice %arg7[%add3A_22, %dma_start3A] : memref<125x80xi32, #tpu.memory_space<vmem>> -> memref<1x80xi32, #tpu.memory_space<vmem>>
        %dma_start3A_24 = tpu.memref_squeeze %dma_start3A_23 : memref<1x80xi32, #tpu.memory_space<vmem>> -> memref<80xi32, #tpu.memory_space<vmem>>
        %dma_start3A_25 = arith.constant 0 : i32
        %dma_start3A_26 = arith.constant 0 : i32
        %dma_start3A_27 = tpu.memref_slice %arg10[%dma_start3A_25, %dma_start3A_26] : memref<10240x128xf32, #tpu.memory_space<vmem_shared>> -> memref<10240x128xf32, #tpu.memory_space<vmem_shared>>
        tpu.enqueue_indirect_dma source(%arg8 : memref<80x128xf32, #tpu.memory_space<vmem>>) target(%dma_start3A_27 : memref<10240x128xf32, #tpu.memory_space<vmem_shared>>) offsets(%dma_start3A_24 : memref<80xi32, #tpu.memory_space<vmem>>) semaphore(%run_scoped3A : memref<!tpu.dma_semaphore, #tpu.memory_space<semaphore_mem>>) {add = true}
        %dma_wait3A = arith.constant 0 : i32
        %dma_wait3A_28 = tpu.memref_slice %arg7[%add3A_22, %dma_wait3A] : memref<125x80xi32, #tpu.memory_space<vmem>> -> memref<1x80xi32, #tpu.memory_space<vmem>>
        %dma_wait3A_29 = tpu.memref_squeeze %dma_wait3A_28 : memref<1x80xi32, #tpu.memory_space<vmem>> -> memref<80xi32, #tpu.memory_space<vmem>>
        %dma_wait3A_30 = arith.constant 0 : i32
        %dma_wait3A_31 = arith.constant 0 : i32
        %dma_wait3A_32 = tpu.memref_slice %arg10[%dma_wait3A_30, %dma_wait3A_31] : memref<10240x128xf32, #tpu.memory_space<vmem_shared>> -> memref<10240x128xf32, #tpu.memory_space<vmem_shared>>
        tpu.wait_indirect_dma semaphore(%run_scoped3A : memref<!tpu.dma_semaphore, #tpu.memory_space<semaphore_mem>>) src(%arg8 : memref<80x128xf32, #tpu.memory_space<vmem>>) dst(%dma_wait3A_32 : memref<10240x128xf32, #tpu.memory_space<vmem_shared>>)
        tpu.yield
      }) : () -> ()
    }
    %scan3A_16 = arith.constant 125 : i32
    %barrier3A_17 = arith.constant 0 : index
    tpu.barrier barrier_id(%barrier3A_17)
    "tpu.region"() ({
      %run_scoped3A = tpu.sem_alloc : memref<!tpu.dma_semaphore, #tpu.memory_space<semaphore_mem>>
      %dma_start3A = arith.constant 0 : i32
      %dma_start3A_18 = tpu.memref_slice %arg5[%arg0, %mul3A_2, %dma_start3A] : memref<2x10240x128xf32, #tpu.memory_space<hbm>> -> memref<1x640x128xf32, #tpu.memory_space<hbm>>
      %dma_start3A_19 = tpu.memref_squeeze %dma_start3A_18 : memref<1x640x128xf32, #tpu.memory_space<hbm>> -> memref<640x128xf32, #tpu.memory_space<hbm>>
      %dma_start3A_20 = arith.constant 0 : i32
      %dma_start3A_21 = tpu.memref_slice %arg10[%mul3A_2, %dma_start3A_20] : memref<10240x128xf32, #tpu.memory_space<vmem_shared>> -> memref<640x128xf32, #tpu.memory_space<vmem_shared>>
      tpu.enqueue_dma source(%dma_start3A_21 : memref<640x128xf32, #tpu.memory_space<vmem_shared>>) target(%dma_start3A_19 : memref<640x128xf32, #tpu.memory_space<hbm>>) target_semaphore(%run_scoped3A : memref<!tpu.dma_semaphore, #tpu.memory_space<semaphore_mem>>)
      %dma_wait3A = arith.constant 0 : i32
      %dma_wait3A_22 = tpu.memref_slice %arg5[%arg0, %mul3A_2, %dma_wait3A] : memref<2x10240x128xf32, #tpu.memory_space<hbm>> -> memref<1x640x128xf32, #tpu.memory_space<hbm>>
      %dma_wait3A_23 = tpu.memref_squeeze %dma_wait3A_22 : memref<1x640x128xf32, #tpu.memory_space<hbm>> -> memref<640x128xf32, #tpu.memory_space<hbm>>
      %dma_wait3A_24 = arith.constant 0 : i32
      %dma_wait3A_25 = tpu.memref_slice %arg10[%mul3A_2, %dma_wait3A_24] : memref<10240x128xf32, #tpu.memory_space<vmem_shared>> -> memref<640x128xf32, #tpu.memory_space<vmem_shared>>
      tpu.wait_dma2 semaphore(%run_scoped3A : memref<!tpu.dma_semaphore, #tpu.memory_space<semaphore_mem>>) src(%dma_wait3A_25 : memref<640x128xf32, #tpu.memory_space<vmem_shared>>) dst(%dma_wait3A_23 : memref<640x128xf32, #tpu.memory_space<hbm>>)
      tpu.yield
    }) : () -> ()
    return
  }
}

#map = affine_map<(d0, d1) -> (0, 0)>
#map1 = affine_map<(d0, d1) -> (0, 0, 0)>
module attributes {stable_mosaic.version = 14 : i64} {
  func.func @body(%arg0: i32, %arg1: i32, %arg2: memref<10000x128xf32, #tpu.memory_space<hbm>>, %arg3: memref<32x125x80xi32, #tpu.memory_space<hbm>>, %arg4: memref<32x125x80xi32, #tpu.memory_space<hbm>>, %arg5: memref<2x10240x128xf32, #tpu.memory_space<hbm>>, %arg6: memref<2x10240xf32, #tpu.memory_space<hbm>>, %arg7: memref<125x80xi32, #tpu.memory_space<vmem>>, %arg8: memref<125x80xi32, #tpu.memory_space<vmem>>, %arg9: memref<80x128xf32, #tpu.memory_space<vmem>>, %arg10: memref<16x128xf32, #tpu.memory_space<vmem>>, %arg11: memref<10240x128xf32, #tpu.memory_space<vmem_shared>>, %arg12: memref<80xf32, #tpu.memory_space<vmem>>, %arg13: memref<10240xf32, #tpu.memory_space<vmem_shared>>) attributes {dimension_semantics = [#tpu.dimension_semantics<core_parallel>, #tpu.dimension_semantics<subcore_parallel>], iteration_bounds = array<i64: 2, 16>, scalar_prefetch = 0 : i64, scratch_operands = 7 : i64, tpu.core_type = #tpu.core_type<sc_vector_subcore>, window_params = [{transform_indices = #map}, {transform_indices = #map1}, {transform_indices = #map1}, {transform_indices = #map1}, {transform_indices = #map}]} {
    %mul3A = arith.constant 16 : i32
    %mul3A_0 = arith.muli %arg0, %mul3A : i32
    %add3A = arith.addi %mul3A_0, %arg1 : i32
    %mul3A_1 = arith.constant 640 : i32
    %mul3A_2 = arith.muli %arg1, %mul3A_1 : i32
    %scan3A = arith.constant 0 : i32
    %scan3A_3 = arith.constant 16 : i32
    %scan3A_4 = arith.addi %scan3A, %scan3A_3 : i32
    %scan3A_5 = arith.constant 1 : i32
    scf.for %scan3A_28 = %scan3A to %scan3A_4 step %scan3A_5  : i32 {
      %mul3A_29 = arith.constant 1 : i32
      %mul3A_30 = arith.muli %scan3A_28, %mul3A_29 : i32
      %add3A_31 = arith.constant 0 : i32
      %add3A_32 = arith.addi %add3A_31, %mul3A_30 : i32
      %scan3A_33 = arith.constant 0 : i32
      %scan3A_34 = arith.constant 8 : i32
      %scan3A_35 = arith.addi %scan3A_33, %scan3A_34 : i32
      %scan3A_36 = arith.constant 1 : i32
      scf.for %scan3A_38 = %scan3A_33 to %scan3A_35 step %scan3A_36  : i32 {
        %mul3A_39 = arith.constant 1 : i32
        %mul3A_40 = arith.muli %scan3A_38, %mul3A_39 : i32
        %add3A_41 = arith.constant 0 : i32
        %add3A_42 = arith.addi %add3A_41, %mul3A_40 : i32
        %broadcast_in_dim3A = arith.constant 0.000000e+00 : f32
        %broadcast_in_dim3A_43 = vector.broadcast %broadcast_in_dim3A : f32 to vector<16xf32>
        %mul3A_44 = arith.constant 16 : i32
        %mul3A_45 = arith.muli %add3A_42, %mul3A_44 : i32
        %swap3A = arith.index_cast %add3A_32 : i32 to index
        %swap3A_46 = arith.index_cast %mul3A_45 : i32 to index
        %swap3A_47 = tpu.vector_load %arg10[%swap3A, %swap3A_46] {strides = array<i32>} : memref<16x128xf32, #tpu.memory_space<vmem>>, vector<1x16xf32>,
        %swap3A_48 = vector.shape_cast %swap3A_47 : vector<1x16xf32> to vector<16xf32>
        %swap3A_49 = vector.shape_cast %broadcast_in_dim3A_43 : vector<16xf32> to vector<1x16xf32>
        tpu.vector_store %arg10[%swap3A, %swap3A_46], %swap3A_49 {strides = array<i32>} : memref<16x128xf32, #tpu.memory_space<vmem>>, vector<1x16xf32>,
      }
      %scan3A_37 = arith.constant 8 : i32
    }
    %scan3A_6 = arith.constant 16 : i32
    %scan3A_7 = arith.constant 0 : i32
    %scan3A_8 = arith.constant 5 : i32
    %scan3A_9 = arith.addi %scan3A_7, %scan3A_8 : i32
    %scan3A_10 = arith.constant 1 : i32
    scf.for %scan3A_28 = %scan3A_7 to %scan3A_9 step %scan3A_10  : i32 {
      %mul3A_29 = arith.constant 1 : i32
      %mul3A_30 = arith.muli %scan3A_28, %mul3A_29 : i32
      %add3A_31 = arith.constant 0 : i32
      %add3A_32 = arith.addi %add3A_31, %mul3A_30 : i32
      %broadcast_in_dim3A = arith.constant 1.000000e+00 : f32
      %broadcast_in_dim3A_33 = vector.broadcast %broadcast_in_dim3A : f32 to vector<16xf32>
      %mul3A_34 = arith.constant 16 : i32
      %mul3A_35 = arith.muli %add3A_32, %mul3A_34 : i32
      %swap3A = arith.index_cast %mul3A_35 : i32 to index
      %swap3A_36 = tpu.vector_load %arg12[%swap3A] {strides = array<i32>} : memref<80xf32, #tpu.memory_space<vmem>>, vector<16xf32>,
      %swap3A_37 = vector.shape_cast %swap3A_36 : vector<16xf32> to vector<16xf32>
      %swap3A_38 = vector.shape_cast %broadcast_in_dim3A_33 : vector<16xf32> to vector<16xf32>
      tpu.vector_store %arg12[%swap3A], %swap3A_38 {strides = array<i32>} : memref<80xf32, #tpu.memory_space<vmem>>, vector<16xf32>,
    }
    %scan3A_11 = arith.constant 5 : i32
    %scan3A_12 = arith.constant 0 : i32
    %scan3A_13 = arith.constant 40 : i32
    %scan3A_14 = arith.addi %scan3A_12, %scan3A_13 : i32
    %scan3A_15 = arith.constant 1 : i32
    scf.for %scan3A_28 = %scan3A_12 to %scan3A_14 step %scan3A_15  : i32 {
      %mul3A_29 = arith.constant 1 : i32
      %mul3A_30 = arith.muli %scan3A_28, %mul3A_29 : i32
      %add3A_31 = arith.constant 0 : i32
      %add3A_32 = arith.addi %add3A_31, %mul3A_30 : i32
      %mul3A_33 = arith.constant 16 : i32
      %mul3A_34 = arith.muli %add3A_32, %mul3A_33 : i32
      %add3A_35 = arith.addi %mul3A_2, %mul3A_34 : i32
      "tpu.region"() ({
        %run_scoped3A = tpu.sem_alloc : memref<!tpu.dma_semaphore, #tpu.memory_space<semaphore_mem>>
        %dma_start3A = arith.constant 0 : i32
        %dma_start3A_36 = tpu.memref_slice %arg11[%add3A_35, %dma_start3A] : memref<10240x128xf32, #tpu.memory_space<vmem_shared>> -> memref<16x128xf32, #tpu.memory_space<vmem_shared>>
        %dma_start3A_37 = arith.constant 0 : i32
        %dma_start3A_38 = tpu.memref_slice %arg11[%add3A_35, %dma_start3A_37] : memref<10240x128xf32, #tpu.memory_space<vmem_shared>> -> memref<16x128xf32, #tpu.memory_space<vmem_shared>>
        tpu.enqueue_dma source(%arg10 : memref<16x128xf32, #tpu.memory_space<vmem>>) target(%dma_start3A_38 : memref<16x128xf32, #tpu.memory_space<vmem_shared>>) target_semaphore(%run_scoped3A : memref<!tpu.dma_semaphore, #tpu.memory_space<semaphore_mem>>)
        %dma_wait3A = arith.constant 0 : i32
        %dma_wait3A_39 = tpu.memref_slice %arg11[%add3A_35, %dma_wait3A] : memref<10240x128xf32, #tpu.memory_space<vmem_shared>> -> memref<16x128xf32, #tpu.memory_space<vmem_shared>>
        %dma_wait3A_40 = arith.constant 0 : i32
        %dma_wait3A_41 = tpu.memref_slice %arg11[%add3A_35, %dma_wait3A_40] : memref<10240x128xf32, #tpu.memory_space<vmem_shared>> -> memref<16x128xf32, #tpu.memory_space<vmem_shared>>
        tpu.wait_dma2 semaphore(%run_scoped3A : memref<!tpu.dma_semaphore, #tpu.memory_space<semaphore_mem>>) src(%arg10 : memref<16x128xf32, #tpu.memory_space<vmem>>) dst(%dma_wait3A_41 : memref<16x128xf32, #tpu.memory_space<vmem_shared>>)
        tpu.yield
      }) : () -> ()
    }
    %scan3A_16 = arith.constant 40 : i32
    %scan3A_17 = arith.constant 0 : i32
    %scan3A_18 = arith.constant 5 : i32
    %scan3A_19 = arith.addi %scan3A_17, %scan3A_18 : i32
    %scan3A_20 = arith.constant 1 : i32
    scf.for %scan3A_28 = %scan3A_17 to %scan3A_19 step %scan3A_20  : i32 {
      %mul3A_29 = arith.constant 1 : i32
      %mul3A_30 = arith.muli %scan3A_28, %mul3A_29 : i32
      %add3A_31 = arith.constant 0 : i32
      %add3A_32 = arith.addi %add3A_31, %mul3A_30 : i32
      %mul3A_33 = arith.constant 128 : i32
      %mul3A_34 = arith.muli %add3A_32, %mul3A_33 : i32
      %add3A_35 = arith.addi %mul3A_2, %mul3A_34 : i32
      %run_scoped3A = arith.constant 0 : i32
      "tpu.region"() ({
        %run_scoped3A_36 = tpu.sem_alloc : memref<!tpu.dma_semaphore, #tpu.memory_space<semaphore_mem>>
        %dma_start3A = arith.constant 0 : i32
        %dma_start3A_37 = tpu.memref_slice %arg10[%run_scoped3A, %dma_start3A] : memref<16x128xf32, #tpu.memory_space<vmem>> -> memref<1x128xf32, #tpu.memory_space<vmem>>
        %dma_start3A_38 = tpu.memref_squeeze %dma_start3A_37 : memref<1x128xf32, #tpu.memory_space<vmem>> -> memref<128xf32, #tpu.memory_space<vmem>>
        %dma_start3A_39 = tpu.memref_slice %arg13[%add3A_35] : memref<10240xf32, #tpu.memory_space<vmem_shared>> -> memref<128xf32, #tpu.memory_space<vmem_shared>>
        %dma_start3A_40 = tpu.memref_slice %arg13[%add3A_35] : memref<10240xf32, #tpu.memory_space<vmem_shared>> -> memref<128xf32, #tpu.memory_space<vmem_shared>>
        %dma_start3A_41 = arith.constant 0 : i32
        %dma_start3A_42 = tpu.memref_slice %arg10[%run_scoped3A, %dma_start3A_41] : memref<16x128xf32, #tpu.memory_space<vmem>> -> memref<1x128xf32, #tpu.memory_space<vmem>>
        %dma_start3A_43 = tpu.memref_squeeze %dma_start3A_42 : memref<1x128xf32, #tpu.memory_space<vmem>> -> memref<128xf32, #tpu.memory_space<vmem>>
        tpu.enqueue_dma source(%dma_start3A_43 : memref<128xf32, #tpu.memory_space<vmem>>) target(%dma_start3A_40 : memref<128xf32, #tpu.memory_space<vmem_shared>>) target_semaphore(%run_scoped3A_36 : memref<!tpu.dma_semaphore, #tpu.memory_space<semaphore_mem>>)
        %dma_wait3A = arith.constant 0 : i32
        %dma_wait3A_44 = tpu.memref_slice %arg10[%run_scoped3A, %dma_wait3A] : memref<16x128xf32, #tpu.memory_space<vmem>> -> memref<1x128xf32, #tpu.memory_space<vmem>>
        %dma_wait3A_45 = tpu.memref_squeeze %dma_wait3A_44 : memref<1x128xf32, #tpu.memory_space<vmem>> -> memref<128xf32, #tpu.memory_space<vmem>>
        %dma_wait3A_46 = tpu.memref_slice %arg13[%add3A_35] : memref<10240xf32, #tpu.memory_space<vmem_shared>> -> memref<128xf32, #tpu.memory_space<vmem_shared>>
        %dma_wait3A_47 = tpu.memref_slice %arg13[%add3A_35] : memref<10240xf32, #tpu.memory_space<vmem_shared>> -> memref<128xf32, #tpu.memory_space<vmem_shared>>
        %dma_wait3A_48 = arith.constant 0 : i32
        %dma_wait3A_49 = tpu.memref_slice %arg10[%run_scoped3A, %dma_wait3A_48] : memref<16x128xf32, #tpu.memory_space<vmem>> -> memref<1x128xf32, #tpu.memory_space<vmem>>
        %dma_wait3A_50 = tpu.memref_squeeze %dma_wait3A_49 : memref<1x128xf32, #tpu.memory_space<vmem>> -> memref<128xf32, #tpu.memory_space<vmem>>
        tpu.wait_dma2 semaphore(%run_scoped3A_36 : memref<!tpu.dma_semaphore, #tpu.memory_space<semaphore_mem>>) src(%dma_wait3A_50 : memref<128xf32, #tpu.memory_space<vmem>>) dst(%dma_wait3A_47 : memref<128xf32, #tpu.memory_space<vmem_shared>>)
        tpu.yield
      }) : () -> ()
    }
    %scan3A_21 = arith.constant 5 : i32
    %barrier3A = arith.constant 0 : index
    tpu.barrier barrier_id(%barrier3A)
    "tpu.region"() ({
      %run_scoped3A = tpu.sem_alloc : memref<!tpu.dma_semaphore, #tpu.memory_space<semaphore_mem>>
      %dma_start3A = arith.constant 0 : i32
      %dma_start3A_28 = arith.constant 0 : i32
      %dma_start3A_29 = tpu.memref_slice %arg3[%add3A, %dma_start3A, %dma_start3A_28] : memref<32x125x80xi32, #tpu.memory_space<hbm>> -> memref<1x125x80xi32, #tpu.memory_space<hbm>>
      %dma_start3A_30 = tpu.memref_squeeze %dma_start3A_29 : memref<1x125x80xi32, #tpu.memory_space<hbm>> -> memref<125x80xi32, #tpu.memory_space<hbm>>
      %dma_start3A_31 = arith.constant 0 : i32
      %dma_start3A_32 = arith.constant 0 : i32
      %dma_start3A_33 = tpu.memref_slice %arg3[%add3A, %dma_start3A_31, %dma_start3A_32] : memref<32x125x80xi32, #tpu.memory_space<hbm>> -> memref<1x125x80xi32, #tpu.memory_space<hbm>>
      %dma_start3A_34 = tpu.memref_squeeze %dma_start3A_33 : memref<1x125x80xi32, #tpu.memory_space<hbm>> -> memref<125x80xi32, #tpu.memory_space<hbm>>
      tpu.enqueue_dma source(%dma_start3A_34 : memref<125x80xi32, #tpu.memory_space<hbm>>) target(%arg7 : memref<125x80xi32, #tpu.memory_space<vmem>>) target_semaphore(%run_scoped3A : memref<!tpu.dma_semaphore, #tpu.memory_space<semaphore_mem>>)
      %dma_wait3A = arith.constant 0 : i32
      %dma_wait3A_35 = arith.constant 0 : i32
      %dma_wait3A_36 = tpu.memref_slice %arg3[%add3A, %dma_wait3A, %dma_wait3A_35] : memref<32x125x80xi32, #tpu.memory_space<hbm>> -> memref<1x125x80xi32, #tpu.memory_space<hbm>>
      %dma_wait3A_37 = tpu.memref_squeeze %dma_wait3A_36 : memref<1x125x80xi32, #tpu.memory_space<hbm>> -> memref<125x80xi32, #tpu.memory_space<hbm>>
      %dma_wait3A_38 = arith.constant 0 : i32
      %dma_wait3A_39 = arith.constant 0 : i32
      %dma_wait3A_40 = tpu.memref_slice %arg3[%add3A, %dma_wait3A_38, %dma_wait3A_39] : memref<32x125x80xi32, #tpu.memory_space<hbm>> -> memref<1x125x80xi32, #tpu.memory_space<hbm>>
      %dma_wait3A_41 = tpu.memref_squeeze %dma_wait3A_40 : memref<1x125x80xi32, #tpu.memory_space<hbm>> -> memref<125x80xi32, #tpu.memory_space<hbm>>
      tpu.wait_dma2 semaphore(%run_scoped3A : memref<!tpu.dma_semaphore, #tpu.memory_space<semaphore_mem>>) src(%dma_wait3A_41 : memref<125x80xi32, #tpu.memory_space<hbm>>) dst(%arg7 : memref<125x80xi32, #tpu.memory_space<vmem>>)
      tpu.yield
    }) : () -> ()
    "tpu.region"() ({
      %run_scoped3A = tpu.sem_alloc : memref<!tpu.dma_semaphore, #tpu.memory_space<semaphore_mem>>
      %dma_start3A = arith.constant 0 : i32
      %dma_start3A_28 = arith.constant 0 : i32
      %dma_start3A_29 = tpu.memref_slice %arg4[%add3A, %dma_start3A, %dma_start3A_28] : memref<32x125x80xi32, #tpu.memory_space<hbm>> -> memref<1x125x80xi32, #tpu.memory_space<hbm>>
      %dma_start3A_30 = tpu.memref_squeeze %dma_start3A_29 : memref<1x125x80xi32, #tpu.memory_space<hbm>> -> memref<125x80xi32, #tpu.memory_space<hbm>>
      %dma_start3A_31 = arith.constant 0 : i32
      %dma_start3A_32 = arith.constant 0 : i32
      %dma_start3A_33 = tpu.memref_slice %arg4[%add3A, %dma_start3A_31, %dma_start3A_32] : memref<32x125x80xi32, #tpu.memory_space<hbm>> -> memref<1x125x80xi32, #tpu.memory_space<hbm>>
      %dma_start3A_34 = tpu.memref_squeeze %dma_start3A_33 : memref<1x125x80xi32, #tpu.memory_space<hbm>> -> memref<125x80xi32, #tpu.memory_space<hbm>>
      tpu.enqueue_dma source(%dma_start3A_34 : memref<125x80xi32, #tpu.memory_space<hbm>>) target(%arg8 : memref<125x80xi32, #tpu.memory_space<vmem>>) target_semaphore(%run_scoped3A : memref<!tpu.dma_semaphore, #tpu.memory_space<semaphore_mem>>)
      %dma_wait3A = arith.constant 0 : i32
      %dma_wait3A_35 = arith.constant 0 : i32
      %dma_wait3A_36 = tpu.memref_slice %arg4[%add3A, %dma_wait3A, %dma_wait3A_35] : memref<32x125x80xi32, #tpu.memory_space<hbm>> -> memref<1x125x80xi32, #tpu.memory_space<hbm>>
      %dma_wait3A_37 = tpu.memref_squeeze %dma_wait3A_36 : memref<1x125x80xi32, #tpu.memory_space<hbm>> -> memref<125x80xi32, #tpu.memory_space<hbm>>
      %dma_wait3A_38 = arith.constant 0 : i32
      %dma_wait3A_39 = arith.constant 0 : i32
      %dma_wait3A_40 = tpu.memref_slice %arg4[%add3A, %dma_wait3A_38, %dma_wait3A_39] : memref<32x125x80xi32, #tpu.memory_space<hbm>> -> memref<1x125x80xi32, #tpu.memory_space<hbm>>
      %dma_wait3A_41 = tpu.memref_squeeze %dma_wait3A_40 : memref<1x125x80xi32, #tpu.memory_space<hbm>> -> memref<125x80xi32, #tpu.memory_space<hbm>>
      tpu.wait_dma2 semaphore(%run_scoped3A : memref<!tpu.dma_semaphore, #tpu.memory_space<semaphore_mem>>) src(%dma_wait3A_41 : memref<125x80xi32, #tpu.memory_space<hbm>>) dst(%arg8 : memref<125x80xi32, #tpu.memory_space<vmem>>)
      tpu.yield
    }) : () -> ()
    %scan3A_22 = arith.constant 0 : i32
    %scan3A_23 = arith.constant 125 : i32
    %scan3A_24 = arith.addi %scan3A_22, %scan3A_23 : i32
    %scan3A_25 = arith.constant 1 : i32
    scf.for %scan3A_28 = %scan3A_22 to %scan3A_24 step %scan3A_25  : i32 {
      %mul3A_29 = arith.constant 1 : i32
      %mul3A_30 = arith.muli %scan3A_28, %mul3A_29 : i32
      %add3A_31 = arith.constant 0 : i32
      %add3A_32 = arith.addi %add3A_31, %mul3A_30 : i32
      "tpu.region"() ({
        %run_scoped3A = tpu.sem_alloc : memref<!tpu.dma_semaphore, #tpu.memory_space<semaphore_mem>>
        %dma_start3A = arith.constant 0 : i32
        %dma_start3A_33 = tpu.memref_slice %arg7[%add3A_32, %dma_start3A] : memref<125x80xi32, #tpu.memory_space<vmem>> -> memref<1x80xi32, #tpu.memory_space<vmem>>
        %dma_start3A_34 = tpu.memref_squeeze %dma_start3A_33 : memref<1x80xi32, #tpu.memory_space<vmem>> -> memref<80xi32, #tpu.memory_space<vmem>>
        %dma_start3A_35 = arith.constant 0 : i32
        %dma_start3A_36 = arith.constant 0 : i32
        %dma_start3A_37 = tpu.memref_slice %arg2[%dma_start3A_35, %dma_start3A_36] : memref<10000x128xf32, #tpu.memory_space<hbm>> -> memref<10000x128xf32, #tpu.memory_space<hbm>>
        tpu.enqueue_indirect_dma source(%dma_start3A_37 : memref<10000x128xf32, #tpu.memory_space<hbm>>) target(%arg9 : memref<80x128xf32, #tpu.memory_space<vmem>>) offsets(%dma_start3A_34 : memref<80xi32, #tpu.memory_space<vmem>>) semaphore(%run_scoped3A : memref<!tpu.dma_semaphore, #tpu.memory_space<semaphore_mem>>)
        %dma_wait3A = arith.constant 0 : i32
        %dma_wait3A_38 = tpu.memref_slice %arg7[%add3A_32, %dma_wait3A] : memref<125x80xi32, #tpu.memory_space<vmem>> -> memref<1x80xi32, #tpu.memory_space<vmem>>
        %dma_wait3A_39 = tpu.memref_squeeze %dma_wait3A_38 : memref<1x80xi32, #tpu.memory_space<vmem>> -> memref<80xi32, #tpu.memory_space<vmem>>
        %dma_wait3A_40 = arith.constant 0 : i32
        %dma_wait3A_41 = arith.constant 0 : i32
        %dma_wait3A_42 = tpu.memref_slice %arg2[%dma_wait3A_40, %dma_wait3A_41] : memref<10000x128xf32, #tpu.memory_space<hbm>> -> memref<10000x128xf32, #tpu.memory_space<hbm>>
        tpu.wait_indirect_dma semaphore(%run_scoped3A : memref<!tpu.dma_semaphore, #tpu.memory_space<semaphore_mem>>) src(%dma_wait3A_42 : memref<10000x128xf32, #tpu.memory_space<hbm>>) dst(%arg9 : memref<80x128xf32, #tpu.memory_space<vmem>>)
        tpu.yield
      }) : () -> ()
      "tpu.region"() ({
        %run_scoped3A = tpu.sem_alloc : memref<!tpu.dma_semaphore, #tpu.memory_space<semaphore_mem>>
        %dma_start3A = arith.constant 0 : i32
        %dma_start3A_33 = tpu.memref_slice %arg8[%add3A_32, %dma_start3A] : memref<125x80xi32, #tpu.memory_space<vmem>> -> memref<1x80xi32, #tpu.memory_space<vmem>>
        %dma_start3A_34 = tpu.memref_squeeze %dma_start3A_33 : memref<1x80xi32, #tpu.memory_space<vmem>> -> memref<80xi32, #tpu.memory_space<vmem>>
        %dma_start3A_35 = arith.constant 0 : i32
        %dma_start3A_36 = arith.constant 0 : i32
        %dma_start3A_37 = tpu.memref_slice %arg11[%dma_start3A_35, %dma_start3A_36] : memref<10240x128xf32, #tpu.memory_space<vmem_shared>> -> memref<10240x128xf32, #tpu.memory_space<vmem_shared>>
        tpu.enqueue_indirect_dma source(%arg9 : memref<80x128xf32, #tpu.memory_space<vmem>>) target(%dma_start3A_37 : memref<10240x128xf32, #tpu.memory_space<vmem_shared>>) offsets(%dma_start3A_34 : memref<80xi32, #tpu.memory_space<vmem>>) semaphore(%run_scoped3A : memref<!tpu.dma_semaphore, #tpu.memory_space<semaphore_mem>>) {add = true}
        %dma_wait3A = arith.constant 0 : i32
        %dma_wait3A_38 = tpu.memref_slice %arg8[%add3A_32, %dma_wait3A] : memref<125x80xi32, #tpu.memory_space<vmem>> -> memref<1x80xi32, #tpu.memory_space<vmem>>
        %dma_wait3A_39 = tpu.memref_squeeze %dma_wait3A_38 : memref<1x80xi32, #tpu.memory_space<vmem>> -> memref<80xi32, #tpu.memory_space<vmem>>
        %dma_wait3A_40 = arith.constant 0 : i32
        %dma_wait3A_41 = arith.constant 0 : i32
        %dma_wait3A_42 = tpu.memref_slice %arg11[%dma_wait3A_40, %dma_wait3A_41] : memref<10240x128xf32, #tpu.memory_space<vmem_shared>> -> memref<10240x128xf32, #tpu.memory_space<vmem_shared>>
        tpu.wait_indirect_dma semaphore(%run_scoped3A : memref<!tpu.dma_semaphore, #tpu.memory_space<semaphore_mem>>) src(%arg9 : memref<80x128xf32, #tpu.memory_space<vmem>>) dst(%dma_wait3A_42 : memref<10240x128xf32, #tpu.memory_space<vmem_shared>>)
        tpu.yield
      }) : () -> ()
      "tpu.region"() ({
        %run_scoped3A = tpu.sem_alloc : memref<!tpu.dma_semaphore, #tpu.memory_space<semaphore_mem>>
        %dma_start3A = arith.constant 0 : i32
        %dma_start3A_33 = tpu.memref_slice %arg8[%add3A_32, %dma_start3A] : memref<125x80xi32, #tpu.memory_space<vmem>> -> memref<1x80xi32, #tpu.memory_space<vmem>>
        %dma_start3A_34 = tpu.memref_squeeze %dma_start3A_33 : memref<1x80xi32, #tpu.memory_space<vmem>> -> memref<80xi32, #tpu.memory_space<vmem>>
        %dma_start3A_35 = arith.constant 0 : i32
        %dma_start3A_36 = tpu.memref_slice %arg13[%dma_start3A_35] : memref<10240xf32, #tpu.memory_space<vmem_shared>> -> memref<10240xf32, #tpu.memory_space<vmem_shared>>
        tpu.enqueue_indirect_dma source(%arg12 : memref<80xf32, #tpu.memory_space<vmem>>) target(%dma_start3A_36 : memref<10240xf32, #tpu.memory_space<vmem_shared>>) offsets(%dma_start3A_34 : memref<80xi32, #tpu.memory_space<vmem>>) semaphore(%run_scoped3A : memref<!tpu.dma_semaphore, #tpu.memory_space<semaphore_mem>>) {add = true}
        %dma_wait3A = arith.constant 0 : i32
        %dma_wait3A_37 = tpu.memref_slice %arg8[%add3A_32, %dma_wait3A] : memref<125x80xi32, #tpu.memory_space<vmem>> -> memref<1x80xi32, #tpu.memory_space<vmem>>
        %dma_wait3A_38 = tpu.memref_squeeze %dma_wait3A_37 : memref<1x80xi32, #tpu.memory_space<vmem>> -> memref<80xi32, #tpu.memory_space<vmem>>
        %dma_wait3A_39 = arith.constant 0 : i32
        %dma_wait3A_40 = tpu.memref_slice %arg13[%dma_wait3A_39] : memref<10240xf32, #tpu.memory_space<vmem_shared>> -> memref<10240xf32, #tpu.memory_space<vmem_shared>>
        tpu.wait_indirect_dma semaphore(%run_scoped3A : memref<!tpu.dma_semaphore, #tpu.memory_space<semaphore_mem>>) src(%arg12 : memref<80xf32, #tpu.memory_space<vmem>>) dst(%dma_wait3A_40 : memref<10240xf32, #tpu.memory_space<vmem_shared>>)
        tpu.yield
      }) : () -> ()
    }
    %scan3A_26 = arith.constant 125 : i32
    %barrier3A_27 = arith.constant 0 : index
    tpu.barrier barrier_id(%barrier3A_27)
    "tpu.region"() ({
      %run_scoped3A = tpu.sem_alloc : memref<!tpu.dma_semaphore, #tpu.memory_space<semaphore_mem>>
      %dma_start3A = arith.constant 0 : i32
      %dma_start3A_28 = tpu.memref_slice %arg5[%arg0, %mul3A_2, %dma_start3A] : memref<2x10240x128xf32, #tpu.memory_space<hbm>> -> memref<1x640x128xf32, #tpu.memory_space<hbm>>
      %dma_start3A_29 = tpu.memref_squeeze %dma_start3A_28 : memref<1x640x128xf32, #tpu.memory_space<hbm>> -> memref<640x128xf32, #tpu.memory_space<hbm>>
      %dma_start3A_30 = arith.constant 0 : i32
      %dma_start3A_31 = tpu.memref_slice %arg11[%mul3A_2, %dma_start3A_30] : memref<10240x128xf32, #tpu.memory_space<vmem_shared>> -> memref<640x128xf32, #tpu.memory_space<vmem_shared>>
      tpu.enqueue_dma source(%dma_start3A_31 : memref<640x128xf32, #tpu.memory_space<vmem_shared>>) target(%dma_start3A_29 : memref<640x128xf32, #tpu.memory_space<hbm>>) target_semaphore(%run_scoped3A : memref<!tpu.dma_semaphore, #tpu.memory_space<semaphore_mem>>)
      %dma_wait3A = arith.constant 0 : i32
      %dma_wait3A_32 = tpu.memref_slice %arg5[%arg0, %mul3A_2, %dma_wait3A] : memref<2x10240x128xf32, #tpu.memory_space<hbm>> -> memref<1x640x128xf32, #tpu.memory_space<hbm>>
      %dma_wait3A_33 = tpu.memref_squeeze %dma_wait3A_32 : memref<1x640x128xf32, #tpu.memory_space<hbm>> -> memref<640x128xf32, #tpu.memory_space<hbm>>
      %dma_wait3A_34 = arith.constant 0 : i32
      %dma_wait3A_35 = tpu.memref_slice %arg11[%mul3A_2, %dma_wait3A_34] : memref<10240x128xf32, #tpu.memory_space<vmem_shared>> -> memref<640x128xf32, #tpu.memory_space<vmem_shared>>
      tpu.wait_dma2 semaphore(%run_scoped3A : memref<!tpu.dma_semaphore, #tpu.memory_space<semaphore_mem>>) src(%dma_wait3A_35 : memref<640x128xf32, #tpu.memory_space<vmem_shared>>) dst(%dma_wait3A_33 : memref<640x128xf32, #tpu.memory_space<hbm>>)
      tpu.yield
    }) : () -> ()
    "tpu.region"() ({
      %run_scoped3A = tpu.sem_alloc : memref<!tpu.dma_semaphore, #tpu.memory_space<semaphore_mem>>
      %dma_start3A = tpu.memref_slice %arg6[%arg0, %mul3A_2] : memref<2x10240xf32, #tpu.memory_space<hbm>> -> memref<1x640xf32, #tpu.memory_space<hbm>>
      %dma_start3A_28 = tpu.memref_squeeze %dma_start3A : memref<1x640xf32, #tpu.memory_space<hbm>> -> memref<640xf32, #tpu.memory_space<hbm>>
      %dma_start3A_29 = tpu.memref_slice %arg13[%mul3A_2] : memref<10240xf32, #tpu.memory_space<vmem_shared>> -> memref<640xf32, #tpu.memory_space<vmem_shared>>
      tpu.enqueue_dma source(%dma_start3A_29 : memref<640xf32, #tpu.memory_space<vmem_shared>>) target(%dma_start3A_28 : memref<640xf32, #tpu.memory_space<hbm>>) target_semaphore(%run_scoped3A : memref<!tpu.dma_semaphore, #tpu.memory_space<semaphore_mem>>)
      %dma_wait3A = tpu.memref_slice %arg6[%arg0, %mul3A_2] : memref<2x10240xf32, #tpu.memory_space<hbm>> -> memref<1x640xf32, #tpu.memory_space<hbm>>
      %dma_wait3A_30 = tpu.memref_squeeze %dma_wait3A : memref<1x640xf32, #tpu.memory_space<hbm>> -> memref<640xf32, #tpu.memory_space<hbm>>
      %dma_wait3A_31 = tpu.memref_slice %arg13[%mul3A_2] : memref<10240xf32, #tpu.memory_space<vmem_shared>> -> memref<640xf32, #tpu.memory_space<vmem_shared>>
      tpu.wait_dma2 semaphore(%run_scoped3A : memref<!tpu.dma_semaphore, #tpu.memory_space<semaphore_mem>>) src(%dma_wait3A_31 : memref<640xf32, #tpu.memory_space<vmem_shared>>) dst(%dma_wait3A_30 : memref<640xf32, #tpu.memory_space<hbm>>)
      tpu.yield
    }) : () -> ()
    return
  }
}

#map = affine_map<(d0, d1) -> (0, 0)>
#map1 = affine_map<(d0, d1) -> (0, 0, 0)>
module attributes {stable_mosaic.version = 14 : i64} {
  func.func @body(%arg0: i32, %arg1: i32, %arg2: memref<10000x128xf32, #tpu.memory_space<hbm>>, %arg3: memref<32x125x80xi32, #tpu.memory_space<hbm>>, %arg4: memref<32x125x80xi32, #tpu.memory_space<hbm>>, %arg5: memref<2x10240x128xf32, #tpu.memory_space<hbm>>, %arg6: memref<125x80xi32, #tpu.memory_space<vmem>>, %arg7: memref<125x80xi32, #tpu.memory_space<vmem>>, %arg8: memref<80x128xf32, #tpu.memory_space<vmem>>, %arg9: memref<16x128xf32, #tpu.memory_space<vmem>>, %arg10: memref<10240x128xf32, #tpu.memory_space<vmem_shared>>) attributes {dimension_semantics = [#tpu.dimension_semantics<core_parallel>, #tpu.dimension_semantics<subcore_parallel>], iteration_bounds = array<i64: 2, 16>, scalar_prefetch = 0 : i64, scratch_operands = 5 : i64, tpu.core_type = #tpu.core_type<sc_vector_subcore>, window_params = [{transform_indices = #map}, {transform_indices = #map1}, {transform_indices = #map1}, {transform_indices = #map1}]} {
    %mul3A = arith.constant 16 : i32
    %mul3A_0 = arith.muli %arg0, %mul3A : i32
    %add3A = arith.addi %mul3A_0, %arg1 : i32
    %mul3A_1 = arith.constant 640 : i32
    %mul3A_2 = arith.muli %arg1, %mul3A_1 : i32
    %scan3A = arith.constant 0 : i32
    %scan3A_3 = arith.constant 16 : i32
    %scan3A_4 = arith.addi %scan3A, %scan3A_3 : i32
    %scan3A_5 = arith.constant 1 : i32
    scf.for %scan3A_18 = %scan3A to %scan3A_4 step %scan3A_5  : i32 {
      %mul3A_19 = arith.constant 1 : i32
      %mul3A_20 = arith.muli %scan3A_18, %mul3A_19 : i32
      %add3A_21 = arith.constant 0 : i32
      %add3A_22 = arith.addi %add3A_21, %mul3A_20 : i32
      %scan3A_23 = arith.constant 0 : i32
      %scan3A_24 = arith.constant 8 : i32
      %scan3A_25 = arith.addi %scan3A_23, %scan3A_24 : i32
      %scan3A_26 = arith.constant 1 : i32
      scf.for %scan3A_28 = %scan3A_23 to %scan3A_25 step %scan3A_26  : i32 {
        %mul3A_29 = arith.constant 1 : i32
        %mul3A_30 = arith.muli %scan3A_28, %mul3A_29 : i32
        %add3A_31 = arith.constant 0 : i32
        %add3A_32 = arith.addi %add3A_31, %mul3A_30 : i32
        %broadcast_in_dim3A = arith.constant 0.000000e+00 : f32
        %broadcast_in_dim3A_33 = vector.broadcast %broadcast_in_dim3A : f32 to vector<16xf32>
        %mul3A_34 = arith.constant 16 : i32
        %mul3A_35 = arith.muli %add3A_32, %mul3A_34 : i32
        %swap3A = arith.index_cast %add3A_22 : i32 to index
        %swap3A_36 = arith.index_cast %mul3A_35 : i32 to index
        %swap3A_37 = tpu.vector_load %arg9[%swap3A, %swap3A_36] {strides = array<i32>} : memref<16x128xf32, #tpu.memory_space<vmem>>, vector<1x16xf32>,
        %swap3A_38 = vector.shape_cast %swap3A_37 : vector<1x16xf32> to vector<16xf32>
        %swap3A_39 = vector.shape_cast %broadcast_in_dim3A_33 : vector<16xf32> to vector<1x16xf32>
        tpu.vector_store %arg9[%swap3A, %swap3A_36], %swap3A_39 {strides = array<i32>} : memref<16x128xf32, #tpu.memory_space<vmem>>, vector<1x16xf32>,
      }
      %scan3A_27 = arith.constant 8 : i32
    }
    %scan3A_6 = arith.constant 16 : i32
    %scan3A_7 = arith.constant 0 : i32
    %scan3A_8 = arith.constant 40 : i32
    %scan3A_9 = arith.addi %scan3A_7, %scan3A_8 : i32
    %scan3A_10 = arith.constant 1 : i32
    scf.for %scan3A_18 = %scan3A_7 to %scan3A_9 step %scan3A_10  : i32 {
      %mul3A_19 = arith.constant 1 : i32
      %mul3A_20 = arith.muli %scan3A_18, %mul3A_19 : i32
      %add3A_21 = arith.constant 0 : i32
      %add3A_22 = arith.addi %add3A_21, %mul3A_20 : i32
      %mul3A_23 = arith.constant 16 : i32
      %mul3A_24 = arith.muli %add3A_22, %mul3A_23 : i32
      %add3A_25 = arith.addi %mul3A_2, %mul3A_24 : i32
      "tpu.region"() ({
        %run_scoped3A = tpu.sem_alloc : memref<!tpu.dma_semaphore, #tpu.memory_space<semaphore_mem>>
        %dma_start3A = arith.constant 0 : i32
        %dma_start3A_26 = tpu.memref_slice %arg10[%add3A_25, %dma_start3A] : memref<10240x128xf32, #tpu.memory_space<vmem_shared>> -> memref<16x128xf32, #tpu.memory_space<vmem_shared>>
        %dma_start3A_27 = arith.constant 0 : i32
        %dma_start3A_28 = tpu.memref_slice %arg10[%add3A_25, %dma_start3A_27] : memref<10240x128xf32, #tpu.memory_space<vmem_shared>> -> memref<16x128xf32, #tpu.memory_space<vmem_shared>>
        tpu.enqueue_dma source(%arg9 : memref<16x128xf32, #tpu.memory_space<vmem>>) target(%dma_start3A_28 : memref<16x128xf32, #tpu.memory_space<vmem_shared>>) target_semaphore(%run_scoped3A : memref<!tpu.dma_semaphore, #tpu.memory_space<semaphore_mem>>)
        %dma_wait3A = arith.constant 0 : i32
        %dma_wait3A_29 = tpu.memref_slice %arg10[%add3A_25, %dma_wait3A] : memref<10240x128xf32, #tpu.memory_space<vmem_shared>> -> memref<16x128xf32, #tpu.memory_space<vmem_shared>>
        %dma_wait3A_30 = arith.constant 0 : i32
        %dma_wait3A_31 = tpu.memref_slice %arg10[%add3A_25, %dma_wait3A_30] : memref<10240x128xf32, #tpu.memory_space<vmem_shared>> -> memref<16x128xf32, #tpu.memory_space<vmem_shared>>
        tpu.wait_dma2 semaphore(%run_scoped3A : memref<!tpu.dma_semaphore, #tpu.memory_space<semaphore_mem>>) src(%arg9 : memref<16x128xf32, #tpu.memory_space<vmem>>) dst(%dma_wait3A_31 : memref<16x128xf32, #tpu.memory_space<vmem_shared>>)
        tpu.yield
      }) : () -> ()
    }
    %scan3A_11 = arith.constant 40 : i32
    %barrier3A = arith.constant 0 : index
    tpu.barrier barrier_id(%barrier3A)
    "tpu.region"() ({
      %run_scoped3A = tpu.sem_alloc : memref<!tpu.dma_semaphore, #tpu.memory_space<semaphore_mem>>
      %dma_start3A = arith.constant 0 : i32
      %dma_start3A_18 = arith.constant 0 : i32
      %dma_start3A_19 = tpu.memref_slice %arg3[%add3A, %dma_start3A, %dma_start3A_18] : memref<32x125x80xi32, #tpu.memory_space<hbm>> -> memref<1x125x80xi32, #tpu.memory_space<hbm>>
      %dma_start3A_20 = tpu.memref_squeeze %dma_start3A_19 : memref<1x125x80xi32, #tpu.memory_space<hbm>> -> memref<125x80xi32, #tpu.memory_space<hbm>>
      %dma_start3A_21 = arith.constant 0 : i32
      %dma_start3A_22 = arith.constant 0 : i32
      %dma_start3A_23 = tpu.memref_slice %arg3[%add3A, %dma_start3A_21, %dma_start3A_22] : memref<32x125x80xi32, #tpu.memory_space<hbm>> -> memref<1x125x80xi32, #tpu.memory_space<hbm>>
      %dma_start3A_24 = tpu.memref_squeeze %dma_start3A_23 : memref<1x125x80xi32, #tpu.memory_space<hbm>> -> memref<125x80xi32, #tpu.memory_space<hbm>>
      tpu.enqueue_dma source(%dma_start3A_24 : memref<125x80xi32, #tpu.memory_space<hbm>>) target(%arg6 : memref<125x80xi32, #tpu.memory_space<vmem>>) target_semaphore(%run_scoped3A : memref<!tpu.dma_semaphore, #tpu.memory_space<semaphore_mem>>)
      %dma_wait3A = arith.constant 0 : i32
      %dma_wait3A_25 = arith.constant 0 : i32
      %dma_wait3A_26 = tpu.memref_slice %arg3[%add3A, %dma_wait3A, %dma_wait3A_25] : memref<32x125x80xi32, #tpu.memory_space<hbm>> -> memref<1x125x80xi32, #tpu.memory_space<hbm>>
      %dma_wait3A_27 = tpu.memref_squeeze %dma_wait3A_26 : memref<1x125x80xi32, #tpu.memory_space<hbm>> -> memref<125x80xi32, #tpu.memory_space<hbm>>
      %dma_wait3A_28 = arith.constant 0 : i32
      %dma_wait3A_29 = arith.constant 0 : i32
      %dma_wait3A_30 = tpu.memref_slice %arg3[%add3A, %dma_wait3A_28, %dma_wait3A_29] : memref<32x125x80xi32, #tpu.memory_space<hbm>> -> memref<1x125x80xi32, #tpu.memory_space<hbm>>
      %dma_wait3A_31 = tpu.memref_squeeze %dma_wait3A_30 : memref<1x125x80xi32, #tpu.memory_space<hbm>> -> memref<125x80xi32, #tpu.memory_space<hbm>>
      tpu.wait_dma2 semaphore(%run_scoped3A : memref<!tpu.dma_semaphore, #tpu.memory_space<semaphore_mem>>) src(%dma_wait3A_31 : memref<125x80xi32, #tpu.memory_space<hbm>>) dst(%arg6 : memref<125x80xi32, #tpu.memory_space<vmem>>)
      tpu.yield
    }) : () -> ()
    "tpu.region"() ({
      %run_scoped3A = tpu.sem_alloc : memref<!tpu.dma_semaphore, #tpu.memory_space<semaphore_mem>>
      %dma_start3A = arith.constant 0 : i32
      %dma_start3A_18 = arith.constant 0 : i32
      %dma_start3A_19 = tpu.memref_slice %arg4[%add3A, %dma_start3A, %dma_start3A_18] : memref<32x125x80xi32, #tpu.memory_space<hbm>> -> memref<1x125x80xi32, #tpu.memory_space<hbm>>
      %dma_start3A_20 = tpu.memref_squeeze %dma_start3A_19 : memref<1x125x80xi32, #tpu.memory_space<hbm>> -> memref<125x80xi32, #tpu.memory_space<hbm>>
      %dma_start3A_21 = arith.constant 0 : i32
      %dma_start3A_22 = arith.constant 0 : i32
      %dma_start3A_23 = tpu.memref_slice %arg4[%add3A, %dma_start3A_21, %dma_start3A_22] : memref<32x125x80xi32, #tpu.memory_space<hbm>> -> memref<1x125x80xi32, #tpu.memory_space<hbm>>
      %dma_start3A_24 = tpu.memref_squeeze %dma_start3A_23 : memref<1x125x80xi32, #tpu.memory_space<hbm>> -> memref<125x80xi32, #tpu.memory_space<hbm>>
      tpu.enqueue_dma source(%dma_start3A_24 : memref<125x80xi32, #tpu.memory_space<hbm>>) target(%arg7 : memref<125x80xi32, #tpu.memory_space<vmem>>) target_semaphore(%run_scoped3A : memref<!tpu.dma_semaphore, #tpu.memory_space<semaphore_mem>>)
      %dma_wait3A = arith.constant 0 : i32
      %dma_wait3A_25 = arith.constant 0 : i32
      %dma_wait3A_26 = tpu.memref_slice %arg4[%add3A, %dma_wait3A, %dma_wait3A_25] : memref<32x125x80xi32, #tpu.memory_space<hbm>> -> memref<1x125x80xi32, #tpu.memory_space<hbm>>
      %dma_wait3A_27 = tpu.memref_squeeze %dma_wait3A_26 : memref<1x125x80xi32, #tpu.memory_space<hbm>> -> memref<125x80xi32, #tpu.memory_space<hbm>>
      %dma_wait3A_28 = arith.constant 0 : i32
      %dma_wait3A_29 = arith.constant 0 : i32
      %dma_wait3A_30 = tpu.memref_slice %arg4[%add3A, %dma_wait3A_28, %dma_wait3A_29] : memref<32x125x80xi32, #tpu.memory_space<hbm>> -> memref<1x125x80xi32, #tpu.memory_space<hbm>>
      %dma_wait3A_31 = tpu.memref_squeeze %dma_wait3A_30 : memref<1x125x80xi32, #tpu.memory_space<hbm>> -> memref<125x80xi32, #tpu.memory_space<hbm>>
      tpu.wait_dma2 semaphore(%run_scoped3A : memref<!tpu.dma_semaphore, #tpu.memory_space<semaphore_mem>>) src(%dma_wait3A_31 : memref<125x80xi32, #tpu.memory_space<hbm>>) dst(%arg7 : memref<125x80xi32, #tpu.memory_space<vmem>>)
      tpu.yield
    }) : () -> ()
    %scan3A_12 = arith.constant 0 : i32
    %scan3A_13 = arith.constant 125 : i32
    %scan3A_14 = arith.addi %scan3A_12, %scan3A_13 : i32
    %scan3A_15 = arith.constant 1 : i32
    scf.for %scan3A_18 = %scan3A_12 to %scan3A_14 step %scan3A_15  : i32 {
      %mul3A_19 = arith.constant 1 : i32
      %mul3A_20 = arith.muli %scan3A_18, %mul3A_19 : i32
      %add3A_21 = arith.constant 0 : i32
      %add3A_22 = arith.addi %add3A_21, %mul3A_20 : i32
      "tpu.region"() ({
        %run_scoped3A = tpu.sem_alloc : memref<!tpu.dma_semaphore, #tpu.memory_space<semaphore_mem>>
        %dma_start3A = arith.constant 0 : i32
        %dma_start3A_23 = tpu.memref_slice %arg6[%add3A_22, %dma_start3A] : memref<125x80xi32, #tpu.memory_space<vmem>> -> memref<1x80xi32, #tpu.memory_space<vmem>>
        %dma_start3A_24 = tpu.memref_squeeze %dma_start3A_23 : memref<1x80xi32, #tpu.memory_space<vmem>> -> memref<80xi32, #tpu.memory_space<vmem>>
        %dma_start3A_25 = arith.constant 0 : i32
        %dma_start3A_26 = arith.constant 0 : i32
        %dma_start3A_27 = tpu.memref_slice %arg2[%dma_start3A_25, %dma_start3A_26] : memref<10000x128xf32, #tpu.memory_space<hbm>> -> memref<10000x128xf32, #tpu.memory_space<hbm>>
        tpu.enqueue_indirect_dma source(%dma_start3A_27 : memref<10000x128xf32, #tpu.memory_space<hbm>>) target(%arg8 : memref<80x128xf32, #tpu.memory_space<vmem>>) offsets(%dma_start3A_24 : memref<80xi32, #tpu.memory_space<vmem>>) semaphore(%run_scoped3A : memref<!tpu.dma_semaphore, #tpu.memory_space<semaphore_mem>>)
        %dma_wait3A = arith.constant 0 : i32
        %dma_wait3A_28 = tpu.memref_slice %arg6[%add3A_22, %dma_wait3A] : memref<125x80xi32, #tpu.memory_space<vmem>> -> memref<1x80xi32, #tpu.memory_space<vmem>>
        %dma_wait3A_29 = tpu.memref_squeeze %dma_wait3A_28 : memref<1x80xi32, #tpu.memory_space<vmem>> -> memref<80xi32, #tpu.memory_space<vmem>>
        %dma_wait3A_30 = arith.constant 0 : i32
        %dma_wait3A_31 = arith.constant 0 : i32
        %dma_wait3A_32 = tpu.memref_slice %arg2[%dma_wait3A_30, %dma_wait3A_31] : memref<10000x128xf32, #tpu.memory_space<hbm>> -> memref<10000x128xf32, #tpu.memory_space<hbm>>
        tpu.wait_indirect_dma semaphore(%run_scoped3A : memref<!tpu.dma_semaphore, #tpu.memory_space<semaphore_mem>>) src(%dma_wait3A_32 : memref<10000x128xf32, #tpu.memory_space<hbm>>) dst(%arg8 : memref<80x128xf32, #tpu.memory_space<vmem>>)
        tpu.yield
      }) : () -> ()
      "tpu.region"() ({
        %run_scoped3A = tpu.sem_alloc : memref<!tpu.dma_semaphore, #tpu.memory_space<semaphore_mem>>
        %dma_start3A = arith.constant 0 : i32
        %dma_start3A_23 = tpu.memref_slice %arg7[%add3A_22, %dma_start3A] : memref<125x80xi32, #tpu.memory_space<vmem>> -> memref<1x80xi32, #tpu.memory_space<vmem>>
        %dma_start3A_24 = tpu.memref_squeeze %dma_start3A_23 : memref<1x80xi32, #tpu.memory_space<vmem>> -> memref<80xi32, #tpu.memory_space<vmem>>
        %dma_start3A_25 = arith.constant 0 : i32
        %dma_start3A_26 = arith.constant 0 : i32
        %dma_start3A_27 = tpu.memref_slice %arg10[%dma_start3A_25, %dma_start3A_26] : memref<10240x128xf32, #tpu.memory_space<vmem_shared>> -> memref<10240x128xf32, #tpu.memory_space<vmem_shared>>
        tpu.enqueue_indirect_dma source(%arg8 : memref<80x128xf32, #tpu.memory_space<vmem>>) target(%dma_start3A_27 : memref<10240x128xf32, #tpu.memory_space<vmem_shared>>) offsets(%dma_start3A_24 : memref<80xi32, #tpu.memory_space<vmem>>) semaphore(%run_scoped3A : memref<!tpu.dma_semaphore, #tpu.memory_space<semaphore_mem>>) {add = true}
        %dma_wait3A = arith.constant 0 : i32
        %dma_wait3A_28 = tpu.memref_slice %arg7[%add3A_22, %dma_wait3A] : memref<125x80xi32, #tpu.memory_space<vmem>> -> memref<1x80xi32, #tpu.memory_space<vmem>>
        %dma_wait3A_29 = tpu.memref_squeeze %dma_wait3A_28 : memref<1x80xi32, #tpu.memory_space<vmem>> -> memref<80xi32, #tpu.memory_space<vmem>>
        %dma_wait3A_30 = arith.constant 0 : i32
        %dma_wait3A_31 = arith.constant 0 : i32
        %dma_wait3A_32 = tpu.memref_slice %arg10[%dma_wait3A_30, %dma_wait3A_31] : memref<10240x128xf32, #tpu.memory_space<vmem_shared>> -> memref<10240x128xf32, #tpu.memory_space<vmem_shared>>
        tpu.wait_indirect_dma semaphore(%run_scoped3A : memref<!tpu.dma_semaphore, #tpu.memory_space<semaphore_mem>>) src(%arg8 : memref<80x128xf32, #tpu.memory_space<vmem>>) dst(%dma_wait3A_32 : memref<10240x128xf32, #tpu.memory_space<vmem_shared>>)
        tpu.yield
      }) : () -> ()
    }
    %scan3A_16 = arith.constant 125 : i32
    %barrier3A_17 = arith.constant 0 : index
    tpu.barrier barrier_id(%barrier3A_17)
    "tpu.region"() ({
      %run_scoped3A = tpu.sem_alloc : memref<!tpu.dma_semaphore, #tpu.memory_space<semaphore_mem>>
      %dma_start3A = arith.constant 0 : i32
      %dma_start3A_18 = tpu.memref_slice %arg5[%arg0, %mul3A_2, %dma_start3A] : memref<2x10240x128xf32, #tpu.memory_space<hbm>> -> memref<1x640x128xf32, #tpu.memory_space<hbm>>
      %dma_start3A_19 = tpu.memref_squeeze %dma_start3A_18 : memref<1x640x128xf32, #tpu.memory_space<hbm>> -> memref<640x128xf32, #tpu.memory_space<hbm>>
      %dma_start3A_20 = arith.constant 0 : i32
      %dma_start3A_21 = tpu.memref_slice %arg10[%mul3A_2, %dma_start3A_20] : memref<10240x128xf32, #tpu.memory_space<vmem_shared>> -> memref<640x128xf32, #tpu.memory_space<vmem_shared>>
      tpu.enqueue_dma source(%dma_start3A_21 : memref<640x128xf32, #tpu.memory_space<vmem_shared>>) target(%dma_start3A_19 : memref<640x128xf32, #tpu.memory_space<hbm>>) target_semaphore(%run_scoped3A : memref<!tpu.dma_semaphore, #tpu.memory_space<semaphore_mem>>)
      %dma_wait3A = arith.constant 0 : i32
      %dma_wait3A_22 = tpu.memref_slice %arg5[%arg0, %mul3A_2, %dma_wait3A] : memref<2x10240x128xf32, #tpu.memory_space<hbm>> -> memref<1x640x128xf32, #tpu.memory_space<hbm>>
      %dma_wait3A_23 = tpu.memref_squeeze %dma_wait3A_22 : memref<1x640x128xf32, #tpu.memory_space<hbm>> -> memref<640x128xf32, #tpu.memory_space<hbm>>
      %dma_wait3A_24 = arith.constant 0 : i32
      %dma_wait3A_25 = tpu.memref_slice %arg10[%mul3A_2, %dma_wait3A_24] : memref<10240x128xf32, #tpu.memory_space<vmem_shared>> -> memref<640x128xf32, #tpu.memory_space<vmem_shared>>
      tpu.wait_dma2 semaphore(%run_scoped3A : memref<!tpu.dma_semaphore, #tpu.memory_space<semaphore_mem>>) src(%dma_wait3A_25 : memref<640x128xf32, #tpu.memory_space<vmem_shared>>) dst(%dma_wait3A_23 : memref<640x128xf32, #tpu.memory_space<hbm>>)
      tpu.yield
    }) : () -> ()
    return
  }
}

module attributes {stable_mosaic.version = 14 : i64} {
  func.func @_layer_body(%arg0: i32, %arg1: memref<1x400x128xf32, #tpu.memory_space<vmem>>, %arg2: memref<1x400x128xf32, #tpu.memory_space<vmem>>, %arg3: memref<1x400x1xf32, #tpu.memory_space<vmem>>, %arg4: memref<1x400x1xf32, #tpu.memory_space<vmem>>, %arg5: memref<400x128xf32, #tpu.memory_space<vmem>>, %arg6: memref<128x128xf32, #tpu.memory_space<vmem>>, %arg7: memref<128x128xf32, #tpu.memory_space<vmem>>, %arg8: memref<1x128xf32, #tpu.memory_space<vmem>>, %arg9: memref<400x128xf32, #tpu.memory_space<vmem>>) attributes {dimension_semantics = [#tpu.dimension_semantics<arbitrary>], iteration_bounds = array<i64: 25>, scalar_prefetch = 0 : i64, scratch_operands = 0 : i64, tpu.core_type = #tpu.core_type<tc>, window_params = [{transform_indices = @transform_0, window_bounds = array<i64: 1, 400, 128>}, {transform_indices = @transform_1, window_bounds = array<i64: 1, 400, 128>}, {transform_indices = @transform_2, window_bounds = array<i64: 1, 400, 1>}, {transform_indices = @transform_3, window_bounds = array<i64: 1, 400, 1>}, {transform_indices = @transform_4, window_bounds = array<i64: 400, 128>}, {pipeline_mode = #tpu.pipeline_mode<synchronous>, transform_indices = @transform_5, window_bounds = array<i64: 128, 128>}, {pipeline_mode = #tpu.pipeline_mode<synchronous>, transform_indices = @transform_6, window_bounds = array<i64: 128, 128>}, {pipeline_mode = #tpu.pipeline_mode<synchronous>, transform_indices = @transform_7, window_bounds = array<i64: 1, 128>}, {transform_indices = @transform_8, window_bounds = array<i64: 400, 128>}]} {
    %get3A = arith.constant 0 : index
    %get3A_0 = arith.constant 0 : index
    %get3A_1 = arith.constant 0 : index
    %get3A_2 = vector.load %arg1[%get3A, %get3A_0, %get3A_1] : memref<1x400x128xf32, #tpu.memory_space<vmem>>, vector<1x400x128xf32>
    %get3A_3 = vector.shape_cast %get3A_2 : vector<1x400x128xf32> to vector<400x128xf32>
    %get3A_4 = arith.constant 0 : index
    %get3A_5 = arith.constant 0 : index
    %get3A_6 = arith.constant 0 : index
    %get3A_7 = vector.load %arg2[%get3A_4, %get3A_5, %get3A_6] : memref<1x400x128xf32, #tpu.memory_space<vmem>>, vector<1x400x128xf32>
    %get3A_8 = vector.shape_cast %get3A_7 : vector<1x400x128xf32> to vector<400x128xf32>
    %add3A = arith.addf %get3A_3, %get3A_8 : vector<400x128xf32>
    %get3A_9 = arith.constant 0 : index
    %get3A_10 = arith.constant 0 : index
    %get3A_11 = arith.constant 0 : index
    %get3A_12 = vector.load %arg3[%get3A_9, %get3A_10, %get3A_11] : memref<1x400x1xf32, #tpu.memory_space<vmem>>, vector<1x400x1xf32>
    %get3A_13 = vector.shape_cast %get3A_12 : vector<1x400x1xf32> to vector<400x1xf32>
    %get3A_14 = arith.constant 0 : index
    %get3A_15 = arith.constant 0 : index
    %get3A_16 = arith.constant 0 : index
    %get3A_17 = vector.load %arg4[%get3A_14, %get3A_15, %get3A_16] : memref<1x400x1xf32, #tpu.memory_space<vmem>>, vector<1x400x1xf32>
    %get3A_18 = vector.shape_cast %get3A_17 : vector<1x400x1xf32> to vector<400x1xf32>
    %add3A_19 = arith.addf %get3A_13, %get3A_18 : vector<400x1xf32>
    %max3A = arith.constant 1.000000e+00 : f32
    %max3A_20 = vector.broadcast %max3A : f32 to vector<400x1xf32>
    %max3A_21 = arith.maximumf %add3A_19, %max3A_20 : vector<400x1xf32>
    %div3A = vector.broadcast %max3A_21 : vector<400x1xf32> to vector<400x128xf32>
    %div3A_22 = arith.divf %add3A, %div3A : vector<400x128xf32>
    %get3A_23 = arith.constant 0 : index
    %get3A_24 = arith.constant 0 : index
    %get3A_25 = vector.load %arg6[%get3A_23, %get3A_24] : memref<128x128xf32, #tpu.memory_space<vmem>>, vector<128x128xf32>
    %dot_general3A = arith.constant dense<0.000000e+00> : vector<400x128xf32>
    %dot_general3A_26 = tpu.matmul %div3A_22, %get3A_25, %dot_general3A {dimension_numbers = #tpu.dot_dimension_numbers<[1], [1], [0], [0], [0, 0, 1, 0], [], []>, precision = #tpu.contract_precision<fp32>, transpose_lhs_hint = false} : vector<400x128xf32>, vector<128x128xf32>, vector<400x128xf32> -> vector<400x128xf32>
    %get3A_27 = arith.constant 0 : index
    %get3A_28 = arith.constant 0 : index
    %get3A_29 = vector.load %arg5[%get3A_27, %get3A_28] : memref<400x128xf32, #tpu.memory_space<vmem>>, vector<400x128xf32>
    %get3A_30 = arith.constant 0 : index
    %get3A_31 = arith.constant 0 : index
    %get3A_32 = vector.load %arg7[%get3A_30, %get3A_31] : memref<128x128xf32, #tpu.memory_space<vmem>>, vector<128x128xf32>
    %dot_general3A_33 = arith.constant dense<0.000000e+00> : vector<400x128xf32>
    %dot_general3A_34 = tpu.matmul %get3A_29, %get3A_32, %dot_general3A_33 {dimension_numbers = #tpu.dot_dimension_numbers<[1], [1], [0], [0], [0, 0, 1, 0], [], []>, precision = #tpu.contract_precision<fp32>, transpose_lhs_hint = false} : vector<400x128xf32>, vector<128x128xf32>, vector<400x128xf32> -> vector<400x128xf32>
    %add3A_35 = arith.addf %dot_general3A_26, %dot_general3A_34 : vector<400x128xf32>
    %get3A_36 = arith.constant 0 : index
    %get3A_37 = arith.constant 0 : index
    %get3A_38 = vector.load %arg8[%get3A_36, %get3A_37] : memref<1x128xf32, #tpu.memory_space<vmem>>, vector<1x128xf32>
    %add3A_39 = vector.broadcast %get3A_38 : vector<1x128xf32> to vector<400x128xf32>
    %add3A_40 = arith.addf %add3A_35, %add3A_39 : vector<400x128xf32>
    %max3A_41 = arith.constant 0.000000e+00 : f32
    %max3A_42 = vector.broadcast %max3A_41 : f32 to vector<400x128xf32>
    %max3A_43 = arith.maximumf %add3A_40, %max3A_42 : vector<400x128xf32>
    %swap3A = arith.constant 0 : index
    %swap3A_44 = arith.constant 0 : index
    %swap3A_45 = vector.load %arg9[%swap3A, %swap3A_44] : memref<400x128xf32, #tpu.memory_space<vmem>>, vector<400x128xf32>
    tpu.vector_store %arg9[%swap3A, %swap3A_44], %max3A_43 {strides = array<i32>} : memref<400x128xf32, #tpu.memory_space<vmem>>, vector<400x128xf32>,
    return
  }
  func.func @transform_0(%arg0: i32) -> (i32, i32, i32) {
    %c0_i32 = arith.constant 0 : i32
    %c0_i32_0 = arith.constant 0 : i32
    %c0_i32_1 = arith.constant 0 : i32
    return %c0_i32, %arg0, %c0_i32_0 : i32, i32, i32
  }
  func.func @transform_1(%arg0: i32) -> (i32, i32, i32) {
    %c1_i32 = arith.constant 1 : i32
    %c0_i32 = arith.constant 0 : i32
    %c0_i32_0 = arith.constant 0 : i32
    return %c1_i32, %arg0, %c0_i32 : i32, i32, i32
  }
  func.func @transform_2(%arg0: i32) -> (i32, i32, i32) {
    %c0_i32 = arith.constant 0 : i32
    %c0_i32_0 = arith.constant 0 : i32
    %c0_i32_1 = arith.constant 0 : i32
    return %c0_i32, %arg0, %c0_i32_0 : i32, i32, i32
  }
  func.func @transform_3(%arg0: i32) -> (i32, i32, i32) {
    %c1_i32 = arith.constant 1 : i32
    %c0_i32 = arith.constant 0 : i32
    %c0_i32_0 = arith.constant 0 : i32
    return %c1_i32, %arg0, %c0_i32 : i32, i32, i32
  }
  func.func @transform_4(%arg0: i32) -> (i32, i32) {
    %c0_i32 = arith.constant 0 : i32
    %c0_i32_0 = arith.constant 0 : i32
    return %arg0, %c0_i32 : i32, i32
  }
  func.func @transform_5(%arg0: i32) -> (i32, i32) {
    %c0_i32 = arith.constant 0 : i32
    %c0_i32_0 = arith.constant 0 : i32
    %c0_i32_1 = arith.constant 0 : i32
    return %c0_i32, %c0_i32_0 : i32, i32
  }
  func.func @transform_6(%arg0: i32) -> (i32, i32) {
    %c0_i32 = arith.constant 0 : i32
    %c0_i32_0 = arith.constant 0 : i32
    %c0_i32_1 = arith.constant 0 : i32
    return %c0_i32, %c0_i32_0 : i32, i32
  }
  func.func @transform_7(%arg0: i32) -> (i32, i32) {
    %c0_i32 = arith.constant 0 : i32
    %c0_i32_0 = arith.constant 0 : i32
    %c0_i32_1 = arith.constant 0 : i32
    return %c0_i32, %c0_i32_0 : i32, i32
  }
  func.func @transform_8(%arg0: i32) -> (i32, i32) {
    %c0_i32 = arith.constant 0 : i32
    %c0_i32_0 = arith.constant 0 : i32
    return %arg0, %c0_i32 : i32, i32
  }
}

module attributes {stable_mosaic.version = 14 : i64} {
  func.func @_layer_body(%arg0: i32, %arg1: memref<1x400x128xf32, #tpu.memory_space<vmem>>, %arg2: memref<1x400x128xf32, #tpu.memory_space<vmem>>, %arg3: memref<1x400x1xf32, #tpu.memory_space<vmem>>, %arg4: memref<1x400x1xf32, #tpu.memory_space<vmem>>, %arg5: memref<400x128xf32, #tpu.memory_space<vmem>>, %arg6: memref<128x128xf32, #tpu.memory_space<vmem>>, %arg7: memref<128x128xf32, #tpu.memory_space<vmem>>, %arg8: memref<1x128xf32, #tpu.memory_space<vmem>>, %arg9: memref<400x128xf32, #tpu.memory_space<vmem>>) attributes {dimension_semantics = [#tpu.dimension_semantics<arbitrary>], iteration_bounds = array<i64: 25>, scalar_prefetch = 0 : i64, scratch_operands = 0 : i64, tpu.core_type = #tpu.core_type<tc>, window_params = [{transform_indices = @transform_0, window_bounds = array<i64: 1, 400, 128>}, {transform_indices = @transform_1, window_bounds = array<i64: 1, 400, 128>}, {transform_indices = @transform_2, window_bounds = array<i64: 1, 400, 1>}, {transform_indices = @transform_3, window_bounds = array<i64: 1, 400, 1>}, {transform_indices = @transform_4, window_bounds = array<i64: 400, 128>}, {pipeline_mode = #tpu.pipeline_mode<synchronous>, transform_indices = @transform_5, window_bounds = array<i64: 128, 128>}, {pipeline_mode = #tpu.pipeline_mode<synchronous>, transform_indices = @transform_6, window_bounds = array<i64: 128, 128>}, {pipeline_mode = #tpu.pipeline_mode<synchronous>, transform_indices = @transform_7, window_bounds = array<i64: 1, 128>}, {transform_indices = @transform_8, window_bounds = array<i64: 400, 128>}]} {
    %get3A = arith.constant 0 : index
    %get3A_0 = arith.constant 0 : index
    %get3A_1 = arith.constant 0 : index
    %get3A_2 = vector.load %arg1[%get3A, %get3A_0, %get3A_1] : memref<1x400x128xf32, #tpu.memory_space<vmem>>, vector<1x400x128xf32>
    %get3A_3 = vector.shape_cast %get3A_2 : vector<1x400x128xf32> to vector<400x128xf32>
    %get3A_4 = arith.constant 0 : index
    %get3A_5 = arith.constant 0 : index
    %get3A_6 = arith.constant 0 : index
    %get3A_7 = vector.load %arg2[%get3A_4, %get3A_5, %get3A_6] : memref<1x400x128xf32, #tpu.memory_space<vmem>>, vector<1x400x128xf32>
    %get3A_8 = vector.shape_cast %get3A_7 : vector<1x400x128xf32> to vector<400x128xf32>
    %add3A = arith.addf %get3A_3, %get3A_8 : vector<400x128xf32>
    %get3A_9 = arith.constant 0 : index
    %get3A_10 = arith.constant 0 : index
    %get3A_11 = arith.constant 0 : index
    %get3A_12 = vector.load %arg3[%get3A_9, %get3A_10, %get3A_11] : memref<1x400x1xf32, #tpu.memory_space<vmem>>, vector<1x400x1xf32>
    %get3A_13 = vector.shape_cast %get3A_12 : vector<1x400x1xf32> to vector<400x1xf32>
    %get3A_14 = arith.constant 0 : index
    %get3A_15 = arith.constant 0 : index
    %get3A_16 = arith.constant 0 : index
    %get3A_17 = vector.load %arg4[%get3A_14, %get3A_15, %get3A_16] : memref<1x400x1xf32, #tpu.memory_space<vmem>>, vector<1x400x1xf32>
    %get3A_18 = vector.shape_cast %get3A_17 : vector<1x400x1xf32> to vector<400x1xf32>
    %add3A_19 = arith.addf %get3A_13, %get3A_18 : vector<400x1xf32>
    %max3A = arith.constant 1.000000e+00 : f32
    %max3A_20 = vector.broadcast %max3A : f32 to vector<400x1xf32>
    %max3A_21 = arith.maximumf %add3A_19, %max3A_20 : vector<400x1xf32>
    %div3A = vector.broadcast %max3A_21 : vector<400x1xf32> to vector<400x128xf32>
    %div3A_22 = arith.divf %add3A, %div3A : vector<400x128xf32>
    %get3A_23 = arith.constant 0 : index
    %get3A_24 = arith.constant 0 : index
    %get3A_25 = vector.load %arg6[%get3A_23, %get3A_24] : memref<128x128xf32, #tpu.memory_space<vmem>>, vector<128x128xf32>
    %dot_general3A = arith.constant dense<0.000000e+00> : vector<400x128xf32>
    %dot_general3A_26 = tpu.matmul %div3A_22, %get3A_25, %dot_general3A {dimension_numbers = #tpu.dot_dimension_numbers<[1], [1], [0], [0], [0, 0, 1, 0], [], []>, precision = #tpu.contract_precision<fp32>, transpose_lhs_hint = false} : vector<400x128xf32>, vector<128x128xf32>, vector<400x128xf32> -> vector<400x128xf32>
    %get3A_27 = arith.constant 0 : index
    %get3A_28 = arith.constant 0 : index
    %get3A_29 = vector.load %arg5[%get3A_27, %get3A_28] : memref<400x128xf32, #tpu.memory_space<vmem>>, vector<400x128xf32>
    %get3A_30 = arith.constant 0 : index
    %get3A_31 = arith.constant 0 : index
    %get3A_32 = vector.load %arg7[%get3A_30, %get3A_31] : memref<128x128xf32, #tpu.memory_space<vmem>>, vector<128x128xf32>
    %dot_general3A_33 = arith.constant dense<0.000000e+00> : vector<400x128xf32>
    %dot_general3A_34 = tpu.matmul %get3A_29, %get3A_32, %dot_general3A_33 {dimension_numbers = #tpu.dot_dimension_numbers<[1], [1], [0], [0], [0, 0, 1, 0], [], []>, precision = #tpu.contract_precision<fp32>, transpose_lhs_hint = false} : vector<400x128xf32>, vector<128x128xf32>, vector<400x128xf32> -> vector<400x128xf32>
    %add3A_35 = arith.addf %dot_general3A_26, %dot_general3A_34 : vector<400x128xf32>
    %get3A_36 = arith.constant 0 : index
    %get3A_37 = arith.constant 0 : index
    %get3A_38 = vector.load %arg8[%get3A_36, %get3A_37] : memref<1x128xf32, #tpu.memory_space<vmem>>, vector<1x128xf32>
    %add3A_39 = vector.broadcast %get3A_38 : vector<1x128xf32> to vector<400x128xf32>
    %add3A_40 = arith.addf %add3A_35, %add3A_39 : vector<400x128xf32>
    %swap3A = arith.constant 0 : index
    %swap3A_41 = arith.constant 0 : index
    %swap3A_42 = vector.load %arg9[%swap3A, %swap3A_41] : memref<400x128xf32, #tpu.memory_space<vmem>>, vector<400x128xf32>
    tpu.vector_store %arg9[%swap3A, %swap3A_41], %add3A_40 {strides = array<i32>} : memref<400x128xf32, #tpu.memory_space<vmem>>, vector<400x128xf32>,
    return
  }
  func.func @transform_0(%arg0: i32) -> (i32, i32, i32) {
    %c0_i32 = arith.constant 0 : i32
    %c0_i32_0 = arith.constant 0 : i32
    %c0_i32_1 = arith.constant 0 : i32
    return %c0_i32, %arg0, %c0_i32_0 : i32, i32, i32
  }
  func.func @transform_1(%arg0: i32) -> (i32, i32, i32) {
    %c1_i32 = arith.constant 1 : i32
    %c0_i32 = arith.constant 0 : i32
    %c0_i32_0 = arith.constant 0 : i32
    return %c1_i32, %arg0, %c0_i32 : i32, i32, i32
  }
  func.func @transform_2(%arg0: i32) -> (i32, i32, i32) {
    %c0_i32 = arith.constant 0 : i32
    %c0_i32_0 = arith.constant 0 : i32
    %c0_i32_1 = arith.constant 0 : i32
    return %c0_i32, %arg0, %c0_i32_0 : i32, i32, i32
  }
  func.func @transform_3(%arg0: i32) -> (i32, i32, i32) {
    %c1_i32 = arith.constant 1 : i32
    %c0_i32 = arith.constant 0 : i32
    %c0_i32_0 = arith.constant 0 : i32
    return %c1_i32, %arg0, %c0_i32 : i32, i32, i32
  }
  func.func @transform_4(%arg0: i32) -> (i32, i32) {
    %c0_i32 = arith.constant 0 : i32
    %c0_i32_0 = arith.constant 0 : i32
    return %arg0, %c0_i32 : i32, i32
  }
  func.func @transform_5(%arg0: i32) -> (i32, i32) {
    %c0_i32 = arith.constant 0 : i32
    %c0_i32_0 = arith.constant 0 : i32
    %c0_i32_1 = arith.constant 0 : i32
    return %c0_i32, %c0_i32_0 : i32, i32
  }
  func.func @transform_6(%arg0: i32) -> (i32, i32) {
    %c0_i32 = arith.constant 0 : i32
    %c0_i32_0 = arith.constant 0 : i32
    %c0_i32_1 = arith.constant 0 : i32
    return %c0_i32, %c0_i32_0 : i32, i32
  }
  func.func @transform_7(%arg0: i32) -> (i32, i32) {
    %c0_i32 = arith.constant 0 : i32
    %c0_i32_0 = arith.constant 0 : i32
    %c0_i32_1 = arith.constant 0 : i32
    return %c0_i32, %c0_i32_0 : i32, i32
  }
  func.func @transform_8(%arg0: i32) -> (i32, i32) {
    %c0_i32 = arith.constant 0 : i32
    %c0_i32_0 = arith.constant 0 : i32
    return %arg0, %c0_i32 : i32, i32
  }
}

</mosaic_0001>

<sc_bundles>
// kernel: kernel.11.cloned.1.call-start
scs
__scs_entry_jumppad:
0x0: {  	(pc) =	sbr.rel $0x88, $3  }
0x1: {  	(tag) =	ssettag $0x0;
	lr =	simm.s32 $0x1  }
0x2: {  	[smem:$0x3F96] =	sst lr;
	_ =	strace $0xD0000000  }
0x3: {  	_ = 	snop  }
0x4: {  	_ = 	snop  }
0x5: {  	_ = 	snop  }
0x6: {  	_ = 	snop  }
0x7: {  	_ = 	snop  }
__scs_overlays_trampoline_lowered:
0x8: {  	[smem:$0x3FA5] =	sst s0  }
0x9: {  	[smem:$0x3FA6] =	sst s1  }
0xa: {  	[smem:$0x3FA7] =	sst s2  }
0xb: {  	[smem:$0x3FA8] =	sst s3  }
0xc: {  	[smem:$0x3FA9] =	sst s4  }
0xd: {  	[smem:$0x3FAA] =	sst s5  }
0xe: {  	[smem:$0x3FAB] =	sst s6  }
0xf: {  	[smem:$0x3FAC] =	sst s7  }
0x10: {  	[smem:$0x3FAD] =	sst s8  }
0x11: {  	[smem:$0x3FAE] =	sst s9;
	s0 =	simm.s32 @!p0 $0x0  }
0x12: {  	s1 =	sld [smem:$0x3F94];
	s0 =	simm.s32 @p0 $0x1  }
0x13: {  	[smem:$0x3FAF] =	sst s0;
	s0 =	simm.s32 @!p1 $0x0  }
0x14: {  	s2 =	sld [smem:$0x3F93];
	s0 =	simm.s32 @p1 $0x1  }
0x15: {  	[smem:$0x3FB0] =	sst s0;
	s0 =	simm.s32 @!p2 $0x0  }
0x16: {  	s3 =	sld [smem:$0x3FDB];
	s0 =	simm.s32 @p2 $0x1  }
0x17: {  	s4 =	simm.s32 $0x1BF5;
	[smem:$0x3FB2] =	sst s0  }
0x18: {  	s0 =	sld [smem:$0x3F95];
	_ =	swait.ge [sflag:s4], $0x0  }
0x19: {  	s7 =	sld [smem:$0x3F96]  }
0x1a: {  	s8 =	sadd.s32 $0xFFFFE003, lr  }
0x1b: {  	s9 =	sadd.s32 $0xFFFFFEF7, lr;
	s5 =	simm.s32 $0xFFFFFFFF;
	p2 =	slt.u32 s8, $0xFFFFF086  }
0x1c: {  	p1 =	slt.u32 s9, $0xF7A;
	s5 =	simm.s32 @!p2 $0x0  }
0x1d: {  	s5 =	simm.s32 @p1 $0x1;
	p0 =	seq.s32 s7, s2  }
0x1e: {  	s7 =	smul.u32 @!p0 $0xF7A, s2;
	p2 =	seq.s32 @!p0 s5, $0x0  }
0x1f: {  	s9 =	smul.u32 $0xF7A, s1;
	s8 =	simm.s32 @!p0 $0x1BF5;
	p2 =	por !p2, p0  }
0x20: {  	[sflag:s8] =	ssyncset.s32 @!p0 $0xFFFFF086;
	s6 =	sadd.s32 @!p0 s3, s7;
	s7 =	simm.s32 @!p0 $0x108  }
0x21: {  	s3 =	sadd.s32 s3, s9;
	s6 =	sadd.s32 @!p0 $0x88, s6;
	s7 =	simm.s32 @p2 $0x1082  }
0x22: {  	[simem:s7], [sflag:s8] =	dma.local @!p0 [hbm:s6], $0xF7A  }
0x23: {  	s9 =	sor.u32 $0xD0000000, s2;
	s6 =	simm.s32 $0x108;
	_ =	swait.ge @!p0 [sflag:s8], $0x0  }
0x24: {  	s3 =	sadd.s32 $0x88, s3;
	s6 =	simm.s32 @!p1 $0x1082;
	[sflag:s4] =	ssyncset.s32 $0xFFFFF086  }
0x25: {  	[simem:s6], [sflag:s4] =	dma.local [hbm:s3], $0xF7A  }
0x26: {  	[smem:$0x3F96] =	sst s1;
	(tag) =	ssettag s2;
	_ =	strace s9  }
0x27: {  	s1 =	sld [smem:$0x3FA6]  }
0x28: {  	s2 =	sld [smem:$0x3FA7]  }
0x29: {  	s4 =	sld [smem:$0x3FA9]  }
0x2a: {  	p0 =	seq.s32 s5, $0x0;
	s5 =	sld [smem:$0x3FAA]  }
0x2b: {  	s6 =	sld [smem:$0x3FAB]  }
0x2c: {  	s7 =	sld [smem:$0x3FAC]  }
0x2d: {  	s3 =	simm.s32 $0x108;
	s8 =	sld [smem:$0x3FAD]  }
0x2e: {  	s3 =	simm.s32 @!p0 $0x1082;
	s9 =	sld [smem:$0x3FAE]  }
0x2f: {  	lr =	sadd.s32 s0, s3;
	s0 =	sld [smem:$0x3FA5]  }
0x30: {  	s3 =	sld [smem:$0x3FA8]  }
0x31: {  	[smem:$0x3FB1] =	sst s10  }
0x32: {  	s10 =	sld [smem:$0x3FAF];
	_ =	sdelay $0x3  }
0x33: {  	p0 =	seq.s32 s10, $0x1;
	s10 =	sld [smem:$0x3FB1];
	_ =	sdelay $0x3  }
0x34: {  	[smem:$0x3FB1] =	sst s10  }
0x35: {  	s10 =	sld [smem:$0x3FB0];
	_ =	sdelay $0x3  }
0x36: {  	p1 =	seq.s32 s10, $0x1;
	s10 =	sld [smem:$0x3FB1];
	_ =	sdelay $0x3  }
0x37: {  	[smem:$0x3FB1] =	sst s10  }
0x38: {  	s10 =	sld [smem:$0x3FB2]  }
0x39: {  	_ = 	snop;
	(pc) =	sbr.ind lr, $3  }
0x3a: {  	_ = 	snop  }
0x3b: {  	_ = 	snop  }
0x3c: {  	p2 =	seq.s32 s10, $0x1;
	s10 =	sld [smem:$0x3FB1]  }
0x3d: {  	_ =	shalt  }
0x3e: {  	_ =	shalt  }
0x3f: {  	_ =	shalt  }
0x40: {  	_ =	shalt  }
0x41: {  	_ =	shalt  }
0x42: {  	_ =	shalt  }
0x43: {  	_ =	shalt  }
0x44: {  	_ =	shalt  }
0x45: {  	_ =	shalt  }
0x46: {  	_ =	shalt  }
0x47: {  	_ =	shalt  }
0x48: {  	_ =	shalt  }
0x49: {  	_ =	shalt  }
0x4a: {  	_ =	shalt  }
0x4b: {  	_ =	shalt  }
0x4c: {  	_ =	shalt  }
0x4d: {  	_ =	shalt  }
0x4e: {  	_ =	shalt  }
0x4f: {  	_ =	shalt  }
0x50: {  	_ =	shalt  }
0x51: {  	_ =	shalt  }
0x52: {  	_ =	shalt  }
0x53: {  	_ =	shalt  }
0x54: {  	_ =	shalt  }
0x55: {  	_ =	shalt  }
0x56: {  	_ =	shalt  }
0x57: {  	_ =	shalt  }
0x58: {  	_ =	shalt  }
0x59: {  	_ =	shalt  }
0x5a: {  	_ =	shalt  }
0x5b: {  	_ =	shalt  }
0x5c: {  	_ =	shalt  }
0x5d: {  	_ =	shalt  }
0x5e: {  	_ =	shalt  }
0x5f: {  	_ =	shalt  }
0x60: {  	_ =	shalt  }
0x61: {  	_ =	shalt  }
0x62: {  	_ =	shalt  }
0x63: {  	_ =	shalt  }
0x64: {  	_ =	shalt  }
0x65: {  	_ =	shalt  }
0x66: {  	_ =	shalt  }
0x67: {  	_ =	shalt  }
0x68: {  	_ =	shalt  }
0x69: {  	_ =	shalt  }
0x6a: {  	_ =	shalt  }
0x6b: {  	_ =	shalt  }
0x6c: {  	_ =	shalt  }
0x6d: {  	_ =	shalt  }
0x6e: {  	_ =	shalt  }
0x6f: {  	_ =	shalt  }
0x70: {  	_ =	shalt  }
0x71: {  	_ =	shalt  }
0x72: {  	_ =	shalt  }
0x73: {  	_ =	shalt  }
0x74: {  	_ =	shalt  }
0x75: {  	_ =	shalt  }
0x76: {  	_ =	shalt  }
0x77: {  	_ =	shalt  }
0x78: {  	_ =	shalt  }
0x79: {  	_ =	shalt  }
0x7a: {  	_ =	shalt  }
0x7b: {  	_ =	shalt  }
0x7c: {  	_ =	shalt  }
0x7d: {  	_ =	shalt  }
0x7e: {  	_ =	shalt  }
0x7f: {  	_ =	shalt  }
0x80: {  	_ =	shalt  }
0x81: {  	_ =	shalt  }
0x82: {  	_ =	shalt  }
0x83: {  	_ =	shalt  }
0x84: {  	_ =	shalt  }
0x85: {  	_ =	shalt  }
0x86: {  	_ =	shalt  }
0x87: {  	_ =	shalt  }
.Lfunc_end0:
.L_simem_size_0:
called_computation.1_lowered:
.L_overlay_start_0:
0x88: {  	s2 =	sld [smem:$0x3FD9]  }
0x89: {  	s3 =	sld [smem:$0x3FFE];
	_ =	sdelay $0x1  }
0x8a: {  	s1 =	srdreg.scid  }
0x8b: {  	s0 =	sand.u32 $0x1, s1  }
0x8c: {  	s17 =	sshll.u32 s0, $0xA;
	s2 =	sadd.s32 s3, s2  }
0x8d: {  	s2 =	sadd.s32 s2, s17  }
0x8e: {  	[smem:$0x3FBD] =	sst s2  }
0x8f: {  	_ = 	snop  }
0x90: {  	s2 =	sld [smem:$0x3FD0];
	(tm) =	ssettm $0x1  }
0x91: {  	s18 =	sld [smem:$0x3FFB];
	_ =	sdelay $0x3  }
0x92: {  	_ =	strace s18  }
0x93: {  	s3 =	sld [smem:$0x3FFC];
	_ =	sdelay $0x3  }
0x94: {  	_ =	strace s3  }
0x95: {  	s3 =	sld [smem:$0x3FFD];
	_ =	sdelay $0x3  }
0x96: {  	_ =	strace s3  }
0x97: {  	_ =	strace $0x8FFFFFFF  }
0x98: {  	s19 =	sld [smem:$0x3FDB];
	_ =	sdelay $0x1  }
0x99: {  	s4 =	simm.s32 $_scs_section_size  }
0x9a: {  	s5 =	simm.s32 $_size__tile_overlayer_lowered;
	s6 =	simm.s32 $_tile_overlayer_lowered  }
0x9b: {  	s22 =	simm.s32 $0x1BFF;
	s21 =	sshll.u32 s6, $0x1;
	s3 =	sadd.s32 s4, s19  }
0x9c: {  	s7 =	simm.s32 $0x0;
	s20 =	sshll.u32 s5, $0x1;
	s5 =	sadd.s32 s21, s3  }
0x9d: {  	[timem:s7], [sflag:s22] =	dma.local [hbm:s5], s20  }
0x9e: {  	_ =	swait.ge [sflag:s22], s20  }
0x9f: {  	s4 =	ssub.s32 $0x0, s20;
	[sflag:s22] =	ssyncset.done $0x0  }
0xa0: {  	[sflag:s22] =	ssyncadd.s32 s4;
	_ =	sdelay $0x1  }
0xa1: {  	s23 =	simm.s32 $0x1B8B  }
0xa2: {  	_ =	swait.ge [sflag:s23], $0x1  }
0xa3: {  	[sflag:s23] =	ssyncset.done $0x0  }
0xa4: {  	s25 =	simm.s32 $0x1B8E;
	s24 =	sld [smem:$0x3FFE];
	[sflag:s23] =	ssyncadd.s32 $0xFFFFFFFF  }
0xa5: {  	s26 =	simm.s32 $execute0_lowered;
	[smem:$0x3FD2] =	sst s25  }
0xa6: {  	s5 =	sshll.u32 s26, $0x1;
	_ =	strace $0x80000049;
	[dreg:$0x1] =	wrdreg $0xFFFFFFFF  }
0xa7: {  	s28 =	simm.s32 $_size_execute0_lowered;
	s3 =	sadd.s32 s3, s5;
	[dreg:$0x0] =	wrdreg $0x0  }
0xa8: {  	s5 =	sshll.u32 s28, $0x1;
	[dreg:$0x2] =	wrdreg s3  }
0xa9: {  	[dreg:$0x3] =	wrdreg s5  }
0xaa: {  	[dreg:$0x4] =	wrdreg $0xC0  }
0xab: {  	_ =	task [dreg:s7], $0x5FFFF  }
0xac: {  	[dreg:$0x1] =	wrdreg $0xFFFFFFFF  }
0xad: {  	[dreg:$0x0] =	wrdreg $0x60  }
0xae: {  	[dreg:$0x2] =	wrdreg s2  }
0xaf: {  	[dreg:$0x3] =	wrdreg s24  }
0xb0: {  	[dreg:$0x4] =	wrdreg $0xB0000  }
0xb1: {  	[dreg:$0x5] =	wrdreg $0x9  }
0xb2: {  	_ =	task.clear_ibuf [dreg:s7], $0x6FFFF;
	_ =	strace $0x90000049  }
0xb3: {  	s29 =	simm.s32 $0x9;
	_ =	strace $0x8000004B  }
0xb4: {  	_ =	swait.ge [sflag:s29], $0x1  }
0xb5: {  	[sflag:s29] =	ssyncadd.s32 $0xFFFFFFFF  }
0xb6: {  	_ =	strace $0x9000004B  }
0xb7: {  	_ =	sfence  }
0xb8: {  	s30 =	sld [smem:$0x0];
	_ =	sdelay $0x2  }
0xb9: {  	s31 =	sshll.u32 s1, $0xD;
	s1 =	sshrl.u32 s1, $0x2  }
0xba: {  	s3 =	sand.u32 $0x4000, s31;
	s1 =	sadd.s32 s1, s30  }
0xbb: {  	s0 =	sor.u32 s3, s0;
	s1 =	sshll.u32 s1, $0x11  }
0xbc: {  	s0 =	sor.u32 s1, s0  }
0xbd: {  	s0 =	sadd.s32 $0x8F2B, s0  }
0xbe: {  	[sflag:s0] =	ssyncadd.remote.s32 $0x1  }
0xbf: {  	_ =	sfence.sel $0xFFFF  }
0xc0: {  	[dreg:$0x0] =	wrdreg $0xFFFFFFFF;
	(pc) =	sbr.abs _section_cstart, $3  }
0xc1: {  	[dreg:$0x1] =	wrdreg $0xFFFFFFFF  }
0xc2: {  	_ =	task.clear_ibuf [dreg:s7], $0x2FFFF;
	_ =	strace $0x9FFFFFFF  }
0xc3: {  	(tm) =	ssettm $0x7FFFFFFF  }
tec
execute0_lowered:
.L_overlay_start_1:
0x0: {  	(tag) =	ssettag $0x1  }
0x1: {  	s1 =	rddreg [dreg:$0x0]  }
0x2: {  	s5 =	rddreg [dreg:$0x1]  }
0x3: {  	s2 =	rddreg [dreg:$0x2]  }
0x4: {  	s0 =	rddreg [dreg:$0x3]  }
0x5: {  	s4 =	simm.s32 $0x0;
	s3 =	srdreg.scid;
	s12 =	simm.s32 $0x4000  }
0x6: {  	s13 =	simm.s32 $0x50;
	[smem:$0x7FF] =	sst s4;
	s6 =	sand.u32 $0x1, s3  }
0x7: {  	s14 =	simm.s32 $0x8000;
	s3 =	stileid.u32;
	s7 =	smul.u32 $0x140000, s6  }
0x8: {  	s8 =	sshll.u32 s6, $0xF;
	s9 =	sshll.u32 s3, $0xB;
	s10 =	smul.u32 $0x14000, s3  }
0x9: {  	_ =	strace $0x8000004A;
	s30 =	smul.u32 $0x50000, s3;
	s6 =	ssub.s32 $0x2, s6  }
0xa: {  	s15 =	sshll.u32 s3, $0x6;
	s8 =	sor.u32 s9, s8;
	s31 =	sshrl.u32 s6, $0x1  }
0xb: {  	s15 =	sor.u32 $0x1C01, s15;
	s8 =	sadd.s32 s8, s5;
	s7 =	sadd.s32 s10, s7  }
0xc: {  	s9 =	sshrl.u32 s30, $0x2;
	s10 =	ssub.s32 s6, s31;
	s7 =	sshrl.u32 s7, $0x3  }
0xd: {  	s6 =	sadd.s32 $0x13000, s8;
	s11 =	sadd.s32 s7, s5;
	s5 =	sadd.s32 s9, s2  }
0xe: {  	s7 =	sadd.s32 $0x3000, s8;
	s9 =	smax.u32 s10, $0x1;
	s10 =	simm.s32 $0xA800  }
0xf: {  	v0 =	vimm.f32 $0.0e+00;
	s8 =	sadd.s32 $0x23000, s11;
	s11 =	simm.s32 $0x1;
	s16 =	sshrl.u32 s5, $0x3  }
.LBB2_1:
0x10: {  	s17 =	simm.s32 $0x0;
	s18 =	simm.s32 $0x200  }
.LBB2_2:
0x11: {  	p0 =	sne.s32 s18, $0x1E00;
	[tilespmem:s17+$0xA870] =	vst v0  }
0x12: {  	[tilespmem:s17+$0xA800] =	vst v0  }
0x13: {  	[tilespmem:s17+$0xA810] =	vst v0  }
.Ltmp0:
0x14: {  	[tilespmem:s17+$0xA820] =	vst v0;
	(pc) =	sbr.rel @p0 .LBB2_2-.Ltmp0, $4  }
0x15: {  	[tilespmem:s17+$0xA830] =	vst v0  }
0x16: {  	[tilespmem:s17+$0xA840] =	vst v0  }
0x17: {  	[tilespmem:s17+$0xA850] =	vst v0  }
0x18: {  	[tilespmem:s17+$0xA860] =	vst v0;
	s17 =	sshra.s32 s18, $0x2;
	s18 =	sadd.s32 $0x200, s18  }
0x19: {  	[tilespmem:s17+$0xA870] =	vst v0  }
0x1a: {  	[tilespmem:s17+$0xA800] =	vst v0  }
0x1b: {  	[tilespmem:s17+$0xA810] =	vst v0  }
0x1c: {  	[tilespmem:s17+$0xA820] =	vst v0  }
0x1d: {  	[tilespmem:s17+$0xA830] =	vst v0  }
0x1e: {  	[tilespmem:s17+$0xA840] =	vst v0  }
0x1f: {  	[tilespmem:s17+$0xA850] =	vst v0  }
0x20: {  	[tilespmem:s17+$0xA860] =	vst v0;
	s31 =	sadd.s32 $0x0, s5  }
0x21: {  	[spmem:s31] =	stream.linear.scatter [tilespmem:s10], [sflag:$0x1], $0x800, $0x38;
	[tilespmem:$0x1F000] =	vst v63  }
0x22: {  	s17 =	simm.s32 $0x2000;
	_ =	swait.ge [sflag:s11], $0x800  }
.LBB2_4:
0x23: {  	s18 =	sshra.s32 s17, $0x2;
	[sflag:s11] =	ssyncset.done $0x0;
	p0 =	sne.s32 s17, $0x4E000  }
.Ltmp1:
0x24: {  	s18 =	sadd.s32 s18, s5;
	[sflag:s11] =	ssyncadd.s32 $0xFFFFF800;
	(pc) =	sbr.rel @p0 .LBB2_4-.Ltmp1, $3  }
0x25: {  	[spmem:s18] =	stream.linear.scatter [tilespmem:s10], [sflag:$0x1], $0x800, $0x38;
	[tilespmem:$0x1F000] =	vst v63  }
0x26: {  	s17 =	sadd.s32 $0x2000, s17;
	_ =	sdelay $0x1  }
0x27: {  	_ =	swait.ge [sflag:s11], $0x800  }
0x28: {  	[sflag:s11] =	ssyncset.done $0x0  }
0x29: {  	[sflag:s11] =	ssyncadd.s32 $0xFFFFF800  }
0x2a: {  	s17 =	simm.s32 $0x0;
	[bflag:$0x0] =	sbarrier.arrive $0xFFFF  }
0x2b: {  	[tilespmem:s17], [sflag:$0x1] =	stream.linear.gather [hbm4b:s6+s17], $0x3E80, $0x38;
	[tilespmem:$0x1F000] =	vst v63  }
0x2c: {  	_ =	swait.ge [sflag:s11], $0x3E80  }
0x2d: {  	[sflag:s11] =	ssyncset.done $0x0  }
0x2e: {  	[sflag:s11] =	ssyncadd.s32 $0xFFFFC180  }
0x2f: {  	[tilespmem:s12], [sflag:$0x1] =	stream.linear.gather [hbm4b:s7+s17], $0x3E80, $0x38;
	[tilespmem:$0x1F000] =	vst v63  }
0x30: {  	_ =	swait.ge [sflag:s11], $0x3E80  }
0x31: {  	[sflag:s11] =	ssyncset.done $0x0  }
0x32: {  	s30 =	simm.s32 $0x0;
	[sflag:s11] =	ssyncadd.s32 $0xFFFFC180  }
0x33: {  	[tilespmem:s14], [sflag:$0x1] =	stream.indirect.gather [hbm4b:s1+s13], $0x80, s30, s13, $0xb8;
	[tilespmem:$0x1F000] =	vst v63  }
0x34: {  	_ =	swait.ge [sflag:s11], $0x2800  }
0x35: {  	[sflag:s11] =	ssyncset.done $0x0  }
0x36: {  	s31 =	simm.s32 $0x4000;
	[sflag:s11] =	ssyncadd.s32 $0xFFFFD800  }
0x37: {  	[spmem:s2] =	stream.indirect.scatter.add.f32 [tilespmem:s14], [sflag:$0x1], $0x80, s31, s13, $0xb8;
	[tilespmem:$0x1F000] =	vst v63  }
0x38: {  	_ =	swait.ge [sflag:s11], $0x2800  }
0x39: {  	s18 =	simm.s32 $0x400;
	s17 =	simm.s32 $0x200;
	[sflag:s11] =	ssyncset.done $0x0  }
.LBB2_6:
0x3a: {  	s19 =	sshra.s32 s17, $0x2  }
0x3b: {  	[sflag:s11] =	ssyncadd.s32 $0xFFFFD800;
	s17 =	smov.u32 s18;
	s20 =	sadd.s32 $0x200, s18  }
0x3c: {  	[tilespmem:s14], [sflag:$0x1] =	stream.indirect.gather [hbm4b:s1+s13], $0x80, s19, s13, $0xb8;
	[tilespmem:$0x1F000] =	vst v63  }
0x3d: {  	p0 =	sne.s32 s18, $0xF800;
	_ =	swait.ge [sflag:s11], $0x2800  }
.Ltmp2:
0x3e: {  	[sflag:s11] =	ssyncset.done $0x0;
	(pc) =	sbr.rel @p0 .LBB2_6-.Ltmp2, $4  }
0x3f: {  	s18 =	sadd.s32 $0x4000, s19;
	[sflag:s11] =	ssyncadd.s32 $0xFFFFD800  }
0x40: {  	[spmem:s2] =	stream.indirect.scatter.add.f32 [tilespmem:s14], [sflag:$0x1], $0x80, s18, s13, $0xb8;
	[tilespmem:$0x1F000] =	vst v63  }
0x41: {  	_ =	swait.ge [sflag:s11], $0x2800  }
0x42: {  	s18 =	smov.u32 s20;
	[sflag:s11] =	ssyncset.done $0x0  }
0x43: {  	s17 =	sshra.s32 s17, $0x2;
	[sflag:s11] =	ssyncadd.s32 $0xFFFFD800  }
0x44: {  	[tilespmem:s14], [sflag:$0x1] =	stream.indirect.gather [hbm4b:s1+s13], $0x80, s17, s13, $0xb8;
	[tilespmem:$0x1F000] =	vst v63  }
0x45: {  	_ =	swait.ge [sflag:s11], $0x2800  }
0x46: {  	[sflag:s11] =	ssyncset.done $0x0  }
0x47: {  	s17 =	sadd.s32 $0x4000, s17;
	[sflag:s11] =	ssyncadd.s32 $0xFFFFD800  }
0x48: {  	[spmem:s2] =	stream.indirect.scatter.add.f32 [tilespmem:s14], [sflag:$0x1], $0x80, s17, s13, $0xb8;
	[tilespmem:$0x1F000] =	vst v63  }
0x49: {  	_ =	swait.ge [sflag:s11], $0x2800  }
0x4a: {  	s4 =	sadd.s32 $0x1, s4;
	[sflag:s11] =	ssyncset.done $0x0  }
0x4b: {  	p0 =	sne.s32 s4, s9;
	[sflag:s11] =	ssyncadd.s32 $0xFFFFD800  }
.Ltmp3:
0x4c: {  	[bflag:$0x0] =	sbarrier.arrive $0xFFFF;
	(pc) =	sbr.rel @p0 .LBB2_1-.Ltmp3, $4  }
0x4d: {  	[hbm:s8], [sflag:s15] =	dma.local [spmem:s16], $0x2800  }
0x4e: {  	_ =	swait.ge [sflag:s11], $0x2800  }
0x4f: {  	[sflag:s11] =	ssyncset.done $0x0  }
0x50: {  	[sflag:s11] =	ssyncadd.s32 $0xFFFFD800  }
0x51: {  	_ =	sfence.sel $0x180000  }
0x52: {  	[bflag:$0x0] =	sbarrier.arrive $0xFFFF  }
0x53: {  	p0 =	sne.s32 s3, $0x0;
	_ =	strace $0x9000004A  }
0x54: {  	s0 =	sadd.s32 @!p0 $0x100000, s0;
	[bflag:$0x2] =	sbarrier.arrive $0xFFFF  }
0x55: {  	[sflag:s0] =	ssyncadd.tile.s32 @!p0 $0x1;
	_ =	shalt  }
.Lfunc_end2:
_tile_overlayer_lowered:
.L_overlay_start_2:
0x56: {  	(tag) =	ssettag $0x2  }
0x57: {  	s0 =	rddreg [dreg:$0x0];
	s2 =	stileid.u32  }
0x58: {  	s1 =	rddreg [dreg:$0x1];
	p0 =	sne.s32 s2, $0x0  }
0x59: {  	s3 =	rddreg [dreg:$0x2];
	[bflag:$0x3] =	sbarrier.arrive $0xFFFF;
	s2 =	simm.s32 @!p0 $0x1C01  }
0x5a: {  	[timem:s3], [sflag:s2] =	dma.local @!p0 [hbm:s0], s1  }
0x5b: {  	s0 =	simm.s32 @!p0 $0x1  }
0x5c: {  	_ =	swait.ge @!p0 [sflag:s0], s1  }
0x5d: {  	s1 =	ssub.s32 @!p0 $0x0, s1;
	[sflag:s0] =	ssyncset.done @!p0 $0x0  }
0x5e: {  	[sflag:s0] =	ssyncadd.s32 @!p0 s1  }
0x5f: {  	[bflag:$0x3] =	sbarrier.arrive $0xFFFF  }
0x60: {  	_ =	shalt  }

// kernel: kernel.14.cloned.1.call-start
scs
__scs_entry_jumppad:
0x0: {  	(pc) =	sbr.rel $0x88, $3  }
0x1: {  	(tag) =	ssettag $0x0;
	lr =	simm.s32 $0x1  }
0x2: {  	[smem:$0x3F96] =	sst lr;
	_ =	strace $0xD0000000  }
0x3: {  	_ = 	snop  }
0x4: {  	_ = 	snop  }
0x5: {  	_ = 	snop  }
0x6: {  	_ = 	snop  }
0x7: {  	_ = 	snop  }
__scs_overlays_trampoline_lowered:
0x8: {  	[smem:$0x3FA5] =	sst s0  }
0x9: {  	[smem:$0x3FA6] =	sst s1  }
0xa: {  	[smem:$0x3FA7] =	sst s2  }
0xb: {  	[smem:$0x3FA8] =	sst s3  }
0xc: {  	[smem:$0x3FA9] =	sst s4  }
0xd: {  	[smem:$0x3FAA] =	sst s5  }
0xe: {  	[smem:$0x3FAB] =	sst s6  }
0xf: {  	[smem:$0x3FAC] =	sst s7  }
0x10: {  	[smem:$0x3FAD] =	sst s8  }
0x11: {  	[smem:$0x3FAE] =	sst s9;
	s0 =	simm.s32 @!p0 $0x0  }
0x12: {  	s1 =	sld [smem:$0x3F94];
	s0 =	simm.s32 @p0 $0x1  }
0x13: {  	[smem:$0x3FAF] =	sst s0;
	s0 =	simm.s32 @!p1 $0x0  }
0x14: {  	s2 =	sld [smem:$0x3F93];
	s0 =	simm.s32 @p1 $0x1  }
0x15: {  	[smem:$0x3FB0] =	sst s0;
	s0 =	simm.s32 @!p2 $0x0  }
0x16: {  	s3 =	sld [smem:$0x3FDB];
	s0 =	simm.s32 @p2 $0x1  }
0x17: {  	s4 =	simm.s32 $0x1BF5;
	[smem:$0x3FB2] =	sst s0  }
0x18: {  	s0 =	sld [smem:$0x3F95];
	_ =	swait.ge [sflag:s4], $0x0  }
0x19: {  	s7 =	sld [smem:$0x3F96]  }
0x1a: {  	s8 =	sadd.s32 $0xFFFFE003, lr  }
0x1b: {  	s9 =	sadd.s32 $0xFFFFFEF7, lr;
	s5 =	simm.s32 $0xFFFFFFFF;
	p2 =	slt.u32 s8, $0xFFFFF086  }
0x1c: {  	p1 =	slt.u32 s9, $0xF7A;
	s5 =	simm.s32 @!p2 $0x0  }
0x1d: {  	s5 =	simm.s32 @p1 $0x1;
	p0 =	seq.s32 s7, s2  }
0x1e: {  	s7 =	smul.u32 @!p0 $0xF7A, s2;
	p2 =	seq.s32 @!p0 s5, $0x0  }
0x1f: {  	s9 =	smul.u32 $0xF7A, s1;
	s8 =	simm.s32 @!p0 $0x1BF5;
	p2 =	por !p2, p0  }
0x20: {  	[sflag:s8] =	ssyncset.s32 @!p0 $0xFFFFF086;
	s6 =	sadd.s32 @!p0 s3, s7;
	s7 =	simm.s32 @!p0 $0x108  }
0x21: {  	s3 =	sadd.s32 s3, s9;
	s6 =	sadd.s32 @!p0 $0x88, s6;
	s7 =	simm.s32 @p2 $0x1082  }
0x22: {  	[simem:s7], [sflag:s8] =	dma.local @!p0 [hbm:s6], $0xF7A  }
0x23: {  	s9 =	sor.u32 $0xD0000000, s2;
	s6 =	simm.s32 $0x108;
	_ =	swait.ge @!p0 [sflag:s8], $0x0  }
0x24: {  	s3 =	sadd.s32 $0x88, s3;
	s6 =	simm.s32 @!p1 $0x1082;
	[sflag:s4] =	ssyncset.s32 $0xFFFFF086  }
0x25: {  	[simem:s6], [sflag:s4] =	dma.local [hbm:s3], $0xF7A  }
0x26: {  	[smem:$0x3F96] =	sst s1;
	(tag) =	ssettag s2;
	_ =	strace s9  }
0x27: {  	s1 =	sld [smem:$0x3FA6]  }
0x28: {  	s2 =	sld [smem:$0x3FA7]  }
0x29: {  	s4 =	sld [smem:$0x3FA9]  }
0x2a: {  	p0 =	seq.s32 s5, $0x0;
	s5 =	sld [smem:$0x3FAA]  }
0x2b: {  	s6 =	sld [smem:$0x3FAB]  }
0x2c: {  	s7 =	sld [smem:$0x3FAC]  }
0x2d: {  	s3 =	simm.s32 $0x108;
	s8 =	sld [smem:$0x3FAD]  }
0x2e: {  	s3 =	simm.s32 @!p0 $0x1082;
	s9 =	sld [smem:$0x3FAE]  }
0x2f: {  	lr =	sadd.s32 s0, s3;
	s0 =	sld [smem:$0x3FA5]  }
0x30: {  	s3 =	sld [smem:$0x3FA8]  }
0x31: {  	[smem:$0x3FB1] =	sst s10  }
0x32: {  	s10 =	sld [smem:$0x3FAF];
	_ =	sdelay $0x3  }
0x33: {  	p0 =	seq.s32 s10, $0x1;
	s10 =	sld [smem:$0x3FB1];
	_ =	sdelay $0x3  }
0x34: {  	[smem:$0x3FB1] =	sst s10  }
0x35: {  	s10 =	sld [smem:$0x3FB0];
	_ =	sdelay $0x3  }
0x36: {  	p1 =	seq.s32 s10, $0x1;
	s10 =	sld [smem:$0x3FB1];
	_ =	sdelay $0x3  }
0x37: {  	[smem:$0x3FB1] =	sst s10  }
0x38: {  	s10 =	sld [smem:$0x3FB2]  }
0x39: {  	_ = 	snop;
	(pc) =	sbr.ind lr, $3  }
0x3a: {  	_ = 	snop  }
0x3b: {  	_ = 	snop  }
0x3c: {  	p2 =	seq.s32 s10, $0x1;
	s10 =	sld [smem:$0x3FB1]  }
0x3d: {  	_ =	shalt  }
0x3e: {  	_ =	shalt  }
0x3f: {  	_ =	shalt  }
0x40: {  	_ =	shalt  }
0x41: {  	_ =	shalt  }
0x42: {  	_ =	shalt  }
0x43: {  	_ =	shalt  }
0x44: {  	_ =	shalt  }
0x45: {  	_ =	shalt  }
0x46: {  	_ =	shalt  }
0x47: {  	_ =	shalt  }
0x48: {  	_ =	shalt  }
0x49: {  	_ =	shalt  }
0x4a: {  	_ =	shalt  }
0x4b: {  	_ =	shalt  }
0x4c: {  	_ =	shalt  }
0x4d: {  	_ =	shalt  }
0x4e: {  	_ =	shalt  }
0x4f: {  	_ =	shalt  }
0x50: {  	_ =	shalt  }
0x51: {  	_ =	shalt  }
0x52: {  	_ =	shalt  }
0x53: {  	_ =	shalt  }
0x54: {  	_ =	shalt  }
0x55: {  	_ =	shalt  }
0x56: {  	_ =	shalt  }
0x57: {  	_ =	shalt  }
0x58: {  	_ =	shalt  }
0x59: {  	_ =	shalt  }
0x5a: {  	_ =	shalt  }
0x5b: {  	_ =	shalt  }
0x5c: {  	_ =	shalt  }
0x5d: {  	_ =	shalt  }
0x5e: {  	_ =	shalt  }
0x5f: {  	_ =	shalt  }
0x60: {  	_ =	shalt  }
0x61: {  	_ =	shalt  }
0x62: {  	_ =	shalt  }
0x63: {  	_ =	shalt  }
0x64: {  	_ =	shalt  }
0x65: {  	_ =	shalt  }
0x66: {  	_ =	shalt  }
0x67: {  	_ =	shalt  }
0x68: {  	_ =	shalt  }
0x69: {  	_ =	shalt  }
0x6a: {  	_ =	shalt  }
0x6b: {  	_ =	shalt  }
0x6c: {  	_ =	shalt  }
0x6d: {  	_ =	shalt  }
0x6e: {  	_ =	shalt  }
0x6f: {  	_ =	shalt  }
0x70: {  	_ =	shalt  }
0x71: {  	_ =	shalt  }
0x72: {  	_ =	shalt  }
0x73: {  	_ =	shalt  }
0x74: {  	_ =	shalt  }
0x75: {  	_ =	shalt  }
0x76: {  	_ =	shalt  }
0x77: {  	_ =	shalt  }
0x78: {  	_ =	shalt  }
0x79: {  	_ =	shalt  }
0x7a: {  	_ =	shalt  }
0x7b: {  	_ =	shalt  }
0x7c: {  	_ =	shalt  }
0x7d: {  	_ =	shalt  }
0x7e: {  	_ =	shalt  }
0x7f: {  	_ =	shalt  }
0x80: {  	_ =	shalt  }
0x81: {  	_ =	shalt  }
0x82: {  	_ =	shalt  }
0x83: {  	_ =	shalt  }
0x84: {  	_ =	shalt  }
0x85: {  	_ =	shalt  }
0x86: {  	_ =	shalt  }
0x87: {  	_ =	shalt  }
.Lfunc_end0:
.L_simem_size_0:
called_computation.2_lowered:
.L_overlay_start_0:
0x88: {  	s2 =	sld [smem:$0x3FD9]  }
0x89: {  	s3 =	sld [smem:$0x3FFE];
	_ =	sdelay $0x1  }
0x8a: {  	s1 =	srdreg.scid  }
0x8b: {  	s0 =	sand.u32 $0x1, s1  }
0x8c: {  	s17 =	sshll.u32 s0, $0xA;
	s2 =	sadd.s32 s3, s2  }
0x8d: {  	s2 =	sadd.s32 s2, s17  }
0x8e: {  	[smem:$0x3FBD] =	sst s2  }
0x8f: {  	_ = 	snop  }
0x90: {  	s2 =	sld [smem:$0x3FD0];
	(tm) =	ssettm $0x1  }
0x91: {  	s18 =	sld [smem:$0x3FFB];
	_ =	sdelay $0x3  }
0x92: {  	_ =	strace s18  }
0x93: {  	s3 =	sld [smem:$0x3FFC];
	_ =	sdelay $0x3  }
0x94: {  	_ =	strace s3  }
0x95: {  	s3 =	sld [smem:$0x3FFD];
	_ =	sdelay $0x3  }
0x96: {  	_ =	strace s3  }
0x97: {  	_ =	strace $0x8FFFFFFF  }
0x98: {  	s19 =	sld [smem:$0x3FDB];
	_ =	sdelay $0x1  }
0x99: {  	s4 =	simm.s32 $_scs_section_size  }
0x9a: {  	s5 =	simm.s32 $_size__tile_overlayer_lowered;
	s6 =	simm.s32 $_tile_overlayer_lowered  }
0x9b: {  	s22 =	simm.s32 $0x1BFF;
	s21 =	sshll.u32 s6, $0x1;
	s3 =	sadd.s32 s4, s19  }
0x9c: {  	s7 =	simm.s32 $0x0;
	s20 =	sshll.u32 s5, $0x1;
	s5 =	sadd.s32 s21, s3  }
0x9d: {  	[timem:s7], [sflag:s22] =	dma.local [hbm:s5], s20  }
0x9e: {  	_ =	swait.ge [sflag:s22], s20  }
0x9f: {  	s4 =	ssub.s32 $0x0, s20;
	[sflag:s22] =	ssyncset.done $0x0  }
0xa0: {  	[sflag:s22] =	ssyncadd.s32 s4;
	_ =	sdelay $0x1  }
0xa1: {  	s23 =	simm.s32 $0x1B8B  }
0xa2: {  	_ =	swait.ge [sflag:s23], $0x1  }
0xa3: {  	[sflag:s23] =	ssyncset.done $0x0  }
0xa4: {  	s25 =	simm.s32 $0x1B8E;
	s24 =	sld [smem:$0x3FFE];
	[sflag:s23] =	ssyncadd.s32 $0xFFFFFFFF  }
0xa5: {  	s26 =	simm.s32 $execute0_lowered;
	[smem:$0x3FD2] =	sst s25  }
0xa6: {  	s5 =	sshll.u32 s26, $0x1;
	_ =	strace $0x8000004C;
	[dreg:$0x1] =	wrdreg $0xFFFFFFFF  }
0xa7: {  	s28 =	simm.s32 $_size_execute0_lowered;
	s3 =	sadd.s32 s3, s5;
	[dreg:$0x0] =	wrdreg $0x0  }
0xa8: {  	s5 =	sshll.u32 s28, $0x1;
	[dreg:$0x2] =	wrdreg s3  }
0xa9: {  	[dreg:$0x3] =	wrdreg s5  }
0xaa: {  	[dreg:$0x4] =	wrdreg $0xC0  }
0xab: {  	_ =	task [dreg:s7], $0x5FFFF  }
0xac: {  	[dreg:$0x1] =	wrdreg $0xFFFFFFFF  }
0xad: {  	[dreg:$0x0] =	wrdreg $0x60  }
0xae: {  	[dreg:$0x2] =	wrdreg s2  }
0xaf: {  	[dreg:$0x3] =	wrdreg s24  }
0xb0: {  	[dreg:$0x4] =	wrdreg $0xB0000  }
0xb1: {  	[dreg:$0x5] =	wrdreg $0x9  }
0xb2: {  	_ =	task.clear_ibuf [dreg:s7], $0x6FFFF;
	_ =	strace $0x9000004C  }
0xb3: {  	s29 =	simm.s32 $0x9;
	_ =	strace $0x8000004E  }
0xb4: {  	_ =	swait.ge [sflag:s29], $0x1  }
0xb5: {  	[sflag:s29] =	ssyncadd.s32 $0xFFFFFFFF  }
0xb6: {  	_ =	strace $0x9000004E  }
0xb7: {  	_ =	sfence  }
0xb8: {  	s30 =	sld [smem:$0x0];
	_ =	sdelay $0x2  }
0xb9: {  	s31 =	sshll.u32 s1, $0xD;
	s1 =	sshrl.u32 s1, $0x2  }
0xba: {  	s3 =	sand.u32 $0x4000, s31;
	s1 =	sadd.s32 s1, s30  }
0xbb: {  	s0 =	sor.u32 s3, s0;
	s1 =	sshll.u32 s1, $0x11  }
0xbc: {  	s0 =	sor.u32 s1, s0  }
0xbd: {  	s0 =	sadd.s32 $0x8F2B, s0  }
0xbe: {  	[sflag:s0] =	ssyncadd.remote.s32 $0x1  }
0xbf: {  	_ =	sfence.sel $0xFFFF  }
0xc0: {  	[dreg:$0x0] =	wrdreg $0xFFFFFFFF;
	(pc) =	sbr.abs _section_cstart, $3  }
0xc1: {  	[dreg:$0x1] =	wrdreg $0xFFFFFFFF  }
0xc2: {  	_ =	task.clear_ibuf [dreg:s7], $0x2FFFF;
	_ =	strace $0x9FFFFFFF  }
0xc3: {  	(tm) =	ssettm $0x7FFFFFFF  }
tec
execute0_lowered:
.L_overlay_start_1:
0x0: {  	(tag) =	ssettag $0x1  }
0x1: {  	s1 =	rddreg [dreg:$0x0]  }
0x2: {  	s5 =	rddreg [dreg:$0x1]  }
0x3: {  	s2 =	rddreg [dreg:$0x2]  }
0x4: {  	s0 =	rddreg [dreg:$0x3]  }
0x5: {  	s4 =	simm.s32 $0x0;
	s3 =	srdreg.scid;
	s12 =	simm.s32 $0x4000  }
0x6: {  	s13 =	simm.s32 $0x50;
	[smem:$0x7FF] =	sst s4;
	s6 =	sand.u32 $0x1, s3  }
0x7: {  	s14 =	simm.s32 $0x8000;
	s3 =	stileid.u32;
	s7 =	smul.u32 $0x140000, s6  }
0x8: {  	s8 =	sshll.u32 s6, $0xF;
	s9 =	sshll.u32 s3, $0xB;
	s10 =	smul.u32 $0x14000, s3  }
0x9: {  	_ =	strace $0x8000004D;
	s30 =	smul.u32 $0x50000, s3;
	s6 =	ssub.s32 $0x2, s6  }
0xa: {  	s15 =	sshll.u32 s3, $0x6;
	s8 =	sor.u32 s9, s8;
	s31 =	sshrl.u32 s6, $0x1  }
0xb: {  	s15 =	sor.u32 $0x1C01, s15;
	s8 =	sadd.s32 s8, s5;
	s7 =	sadd.s32 s10, s7  }
0xc: {  	s9 =	sshrl.u32 s30, $0x2;
	s10 =	ssub.s32 s6, s31;
	s7 =	sshrl.u32 s7, $0x3  }
0xd: {  	s6 =	sadd.s32 $0x13000, s8;
	s11 =	sadd.s32 s7, s5;
	s5 =	sadd.s32 s9, s2  }
0xe: {  	s7 =	sadd.s32 $0x3000, s8;
	s9 =	smax.u32 s10, $0x1;
	s10 =	simm.s32 $0xA800  }
0xf: {  	v0 =	vimm.f32 $0.0e+00;
	s8 =	sadd.s32 $0x23000, s11;
	s11 =	simm.s32 $0x1;
	s16 =	sshrl.u32 s5, $0x3  }
.LBB2_1:
0x10: {  	s17 =	simm.s32 $0x0;
	s18 =	simm.s32 $0x200  }
.LBB2_2:
0x11: {  	p0 =	sne.s32 s18, $0x1E00;
	[tilespmem:s17+$0xA870] =	vst v0  }
0x12: {  	[tilespmem:s17+$0xA800] =	vst v0  }
0x13: {  	[tilespmem:s17+$0xA810] =	vst v0  }
.Ltmp0:
0x14: {  	[tilespmem:s17+$0xA820] =	vst v0;
	(pc) =	sbr.rel @p0 .LBB2_2-.Ltmp0, $4  }
0x15: {  	[tilespmem:s17+$0xA830] =	vst v0  }
0x16: {  	[tilespmem:s17+$0xA840] =	vst v0  }
0x17: {  	[tilespmem:s17+$0xA850] =	vst v0  }
0x18: {  	[tilespmem:s17+$0xA860] =	vst v0;
	s17 =	sshra.s32 s18, $0x2;
	s18 =	sadd.s32 $0x200, s18  }
0x19: {  	[tilespmem:s17+$0xA870] =	vst v0  }
0x1a: {  	[tilespmem:s17+$0xA800] =	vst v0  }
0x1b: {  	[tilespmem:s17+$0xA810] =	vst v0  }
0x1c: {  	[tilespmem:s17+$0xA820] =	vst v0  }
0x1d: {  	[tilespmem:s17+$0xA830] =	vst v0  }
0x1e: {  	[tilespmem:s17+$0xA840] =	vst v0  }
0x1f: {  	[tilespmem:s17+$0xA850] =	vst v0  }
0x20: {  	[tilespmem:s17+$0xA860] =	vst v0;
	s31 =	sadd.s32 $0x0, s5  }
0x21: {  	[spmem:s31] =	stream.linear.scatter [tilespmem:s10], [sflag:$0x1], $0x800, $0x38;
	[tilespmem:$0x1F000] =	vst v63  }
0x22: {  	s17 =	simm.s32 $0x2000;
	_ =	swait.ge [sflag:s11], $0x800  }
.LBB2_4:
0x23: {  	s18 =	sshra.s32 s17, $0x2;
	[sflag:s11] =	ssyncset.done $0x0;
	p0 =	sne.s32 s17, $0x4E000  }
.Ltmp1:
0x24: {  	s18 =	sadd.s32 s18, s5;
	[sflag:s11] =	ssyncadd.s32 $0xFFFFF800;
	(pc) =	sbr.rel @p0 .LBB2_4-.Ltmp1, $3  }
0x25: {  	[spmem:s18] =	stream.linear.scatter [tilespmem:s10], [sflag:$0x1], $0x800, $0x38;
	[tilespmem:$0x1F000] =	vst v63  }
0x26: {  	s17 =	sadd.s32 $0x2000, s17;
	_ =	sdelay $0x1  }
0x27: {  	_ =	swait.ge [sflag:s11], $0x800  }
0x28: {  	[sflag:s11] =	ssyncset.done $0x0  }
0x29: {  	[sflag:s11] =	ssyncadd.s32 $0xFFFFF800  }
0x2a: {  	s17 =	simm.s32 $0x0;
	[bflag:$0x0] =	sbarrier.arrive $0xFFFF  }
0x2b: {  	[tilespmem:s17], [sflag:$0x1] =	stream.linear.gather [hbm4b:s6+s17], $0x3E80, $0x38;
	[tilespmem:$0x1F000] =	vst v63  }
0x2c: {  	_ =	swait.ge [sflag:s11], $0x3E80  }
0x2d: {  	[sflag:s11] =	ssyncset.done $0x0  }
0x2e: {  	[sflag:s11] =	ssyncadd.s32 $0xFFFFC180  }
0x2f: {  	[tilespmem:s12], [sflag:$0x1] =	stream.linear.gather [hbm4b:s7+s17], $0x3E80, $0x38;
	[tilespmem:$0x1F000] =	vst v63  }
0x30: {  	_ =	swait.ge [sflag:s11], $0x3E80  }
0x31: {  	[sflag:s11] =	ssyncset.done $0x0  }
0x32: {  	s30 =	simm.s32 $0x0;
	[sflag:s11] =	ssyncadd.s32 $0xFFFFC180  }
0x33: {  	[tilespmem:s14], [sflag:$0x1] =	stream.indirect.gather [hbm4b:s1+s13], $0x80, s30, s13, $0xb8;
	[tilespmem:$0x1F000] =	vst v63  }
0x34: {  	_ =	swait.ge [sflag:s11], $0x2800  }
0x35: {  	[sflag:s11] =	ssyncset.done $0x0  }
0x36: {  	s31 =	simm.s32 $0x4000;
	[sflag:s11] =	ssyncadd.s32 $0xFFFFD800  }
0x37: {  	[spmem:s2] =	stream.indirect.scatter.add.f32 [tilespmem:s14], [sflag:$0x1], $0x80, s31, s13, $0xb8;
	[tilespmem:$0x1F000] =	vst v63  }
0x38: {  	_ =	swait.ge [sflag:s11], $0x2800  }
0x39: {  	s18 =	simm.s32 $0x400;
	s17 =	simm.s32 $0x200;
	[sflag:s11] =	ssyncset.done $0x0  }
.LBB2_6:
0x3a: {  	s19 =	sshra.s32 s17, $0x2  }
0x3b: {  	[sflag:s11] =	ssyncadd.s32 $0xFFFFD800;
	s17 =	smov.u32 s18;
	s20 =	sadd.s32 $0x200, s18  }
0x3c: {  	[tilespmem:s14], [sflag:$0x1] =	stream.indirect.gather [hbm4b:s1+s13], $0x80, s19, s13, $0xb8;
	[tilespmem:$0x1F000] =	vst v63  }
0x3d: {  	p0 =	sne.s32 s18, $0xF800;
	_ =	swait.ge [sflag:s11], $0x2800  }
.Ltmp2:
0x3e: {  	[sflag:s11] =	ssyncset.done $0x0;
	(pc) =	sbr.rel @p0 .LBB2_6-.Ltmp2, $4  }
0x3f: {  	s18 =	sadd.s32 $0x4000, s19;
	[sflag:s11] =	ssyncadd.s32 $0xFFFFD800  }
0x40: {  	[spmem:s2] =	stream.indirect.scatter.add.f32 [tilespmem:s14], [sflag:$0x1], $0x80, s18, s13, $0xb8;
	[tilespmem:$0x1F000] =	vst v63  }
0x41: {  	_ =	swait.ge [sflag:s11], $0x2800  }
0x42: {  	s18 =	smov.u32 s20;
	[sflag:s11] =	ssyncset.done $0x0  }
0x43: {  	s17 =	sshra.s32 s17, $0x2;
	[sflag:s11] =	ssyncadd.s32 $0xFFFFD800  }
0x44: {  	[tilespmem:s14], [sflag:$0x1] =	stream.indirect.gather [hbm4b:s1+s13], $0x80, s17, s13, $0xb8;
	[tilespmem:$0x1F000] =	vst v63  }
0x45: {  	_ =	swait.ge [sflag:s11], $0x2800  }
0x46: {  	[sflag:s11] =	ssyncset.done $0x0  }
0x47: {  	s17 =	sadd.s32 $0x4000, s17;
	[sflag:s11] =	ssyncadd.s32 $0xFFFFD800  }
0x48: {  	[spmem:s2] =	stream.indirect.scatter.add.f32 [tilespmem:s14], [sflag:$0x1], $0x80, s17, s13, $0xb8;
	[tilespmem:$0x1F000] =	vst v63  }
0x49: {  	_ =	swait.ge [sflag:s11], $0x2800  }
0x4a: {  	s4 =	sadd.s32 $0x1, s4;
	[sflag:s11] =	ssyncset.done $0x0  }
0x4b: {  	p0 =	sne.s32 s4, s9;
	[sflag:s11] =	ssyncadd.s32 $0xFFFFD800  }
.Ltmp3:
0x4c: {  	[bflag:$0x0] =	sbarrier.arrive $0xFFFF;
	(pc) =	sbr.rel @p0 .LBB2_1-.Ltmp3, $4  }
0x4d: {  	[hbm:s8], [sflag:s15] =	dma.local [spmem:s16], $0x2800  }
0x4e: {  	_ =	swait.ge [sflag:s11], $0x2800  }
0x4f: {  	[sflag:s11] =	ssyncset.done $0x0  }
0x50: {  	[sflag:s11] =	ssyncadd.s32 $0xFFFFD800  }
0x51: {  	_ =	sfence.sel $0x180000  }
0x52: {  	[bflag:$0x0] =	sbarrier.arrive $0xFFFF  }
0x53: {  	p0 =	sne.s32 s3, $0x0;
	_ =	strace $0x9000004D  }
0x54: {  	s0 =	sadd.s32 @!p0 $0x100000, s0;
	[bflag:$0x2] =	sbarrier.arrive $0xFFFF  }
0x55: {  	[sflag:s0] =	ssyncadd.tile.s32 @!p0 $0x1;
	_ =	shalt  }
.Lfunc_end2:
_tile_overlayer_lowered:
.L_overlay_start_2:
0x56: {  	(tag) =	ssettag $0x2  }
0x57: {  	s0 =	rddreg [dreg:$0x0];
	s2 =	stileid.u32  }
0x58: {  	s1 =	rddreg [dreg:$0x1];
	p0 =	sne.s32 s2, $0x0  }
0x59: {  	s3 =	rddreg [dreg:$0x2];
	[bflag:$0x3] =	sbarrier.arrive $0xFFFF;
	s2 =	simm.s32 @!p0 $0x1C01  }
0x5a: {  	[timem:s3], [sflag:s2] =	dma.local @!p0 [hbm:s0], s1  }
0x5b: {  	s0 =	simm.s32 @!p0 $0x1  }
0x5c: {  	_ =	swait.ge @!p0 [sflag:s0], s1  }
0x5d: {  	s1 =	ssub.s32 @!p0 $0x0, s1;
	[sflag:s0] =	ssyncset.done @!p0 $0x0  }
0x5e: {  	[sflag:s0] =	ssyncadd.s32 @!p0 s1  }
0x5f: {  	[bflag:$0x3] =	sbarrier.arrive $0xFFFF  }
0x60: {  	_ =	shalt  }

// kernel: kernel.8.cloned.1.call-start
scs
__scs_entry_jumppad:
0x0: {  	(pc) =	sbr.rel $0x88, $3  }
0x1: {  	(tag) =	ssettag $0x0;
	lr =	simm.s32 $0x1  }
0x2: {  	[smem:$0x3F96] =	sst lr;
	_ =	strace $0xD0000000  }
0x3: {  	_ = 	snop  }
0x4: {  	_ = 	snop  }
0x5: {  	_ = 	snop  }
0x6: {  	_ = 	snop  }
0x7: {  	_ = 	snop  }
__scs_overlays_trampoline_lowered:
0x8: {  	[smem:$0x3FA5] =	sst s0  }
0x9: {  	[smem:$0x3FA6] =	sst s1  }
0xa: {  	[smem:$0x3FA7] =	sst s2  }
0xb: {  	[smem:$0x3FA8] =	sst s3  }
0xc: {  	[smem:$0x3FA9] =	sst s4  }
0xd: {  	[smem:$0x3FAA] =	sst s5  }
0xe: {  	[smem:$0x3FAB] =	sst s6  }
0xf: {  	[smem:$0x3FAC] =	sst s7  }
0x10: {  	[smem:$0x3FAD] =	sst s8  }
0x11: {  	[smem:$0x3FAE] =	sst s9;
	s0 =	simm.s32 @!p0 $0x0  }
0x12: {  	s1 =	sld [smem:$0x3F94];
	s0 =	simm.s32 @p0 $0x1  }
0x13: {  	[smem:$0x3FAF] =	sst s0;
	s0 =	simm.s32 @!p1 $0x0  }
0x14: {  	s2 =	sld [smem:$0x3F93];
	s0 =	simm.s32 @p1 $0x1  }
0x15: {  	[smem:$0x3FB0] =	sst s0;
	s0 =	simm.s32 @!p2 $0x0  }
0x16: {  	s3 =	sld [smem:$0x3FDB];
	s0 =	simm.s32 @p2 $0x1  }
0x17: {  	s4 =	simm.s32 $0x1BF5;
	[smem:$0x3FB2] =	sst s0  }
0x18: {  	s0 =	sld [smem:$0x3F95];
	_ =	swait.ge [sflag:s4], $0x0  }
0x19: {  	s7 =	sld [smem:$0x3F96]  }
0x1a: {  	s8 =	sadd.s32 $0xFFFFE003, lr  }
0x1b: {  	s9 =	sadd.s32 $0xFFFFFEF7, lr;
	s5 =	simm.s32 $0xFFFFFFFF;
	p2 =	slt.u32 s8, $0xFFFFF086  }
0x1c: {  	p1 =	slt.u32 s9, $0xF7A;
	s5 =	simm.s32 @!p2 $0x0  }
0x1d: {  	s5 =	simm.s32 @p1 $0x1;
	p0 =	seq.s32 s7, s2  }
0x1e: {  	s7 =	smul.u32 @!p0 $0xF7A, s2;
	p2 =	seq.s32 @!p0 s5, $0x0  }
0x1f: {  	s9 =	smul.u32 $0xF7A, s1;
	s8 =	simm.s32 @!p0 $0x1BF5;
	p2 =	por !p2, p0  }
0x20: {  	[sflag:s8] =	ssyncset.s32 @!p0 $0xFFFFF086;
	s6 =	sadd.s32 @!p0 s3, s7;
	s7 =	simm.s32 @!p0 $0x108  }
0x21: {  	s3 =	sadd.s32 s3, s9;
	s6 =	sadd.s32 @!p0 $0x88, s6;
	s7 =	simm.s32 @p2 $0x1082  }
0x22: {  	[simem:s7], [sflag:s8] =	dma.local @!p0 [hbm:s6], $0xF7A  }
0x23: {  	s9 =	sor.u32 $0xD0000000, s2;
	s6 =	simm.s32 $0x108;
	_ =	swait.ge @!p0 [sflag:s8], $0x0  }
0x24: {  	s3 =	sadd.s32 $0x88, s3;
	s6 =	simm.s32 @!p1 $0x1082;
	[sflag:s4] =	ssyncset.s32 $0xFFFFF086  }
0x25: {  	[simem:s6], [sflag:s4] =	dma.local [hbm:s3], $0xF7A  }
0x26: {  	[smem:$0x3F96] =	sst s1;
	(tag) =	ssettag s2;
	_ =	strace s9  }
0x27: {  	s1 =	sld [smem:$0x3FA6]  }
0x28: {  	s2 =	sld [smem:$0x3FA7]  }
0x29: {  	s4 =	sld [smem:$0x3FA9]  }
0x2a: {  	p0 =	seq.s32 s5, $0x0;
	s5 =	sld [smem:$0x3FAA]  }
0x2b: {  	s6 =	sld [smem:$0x3FAB]  }
0x2c: {  	s7 =	sld [smem:$0x3FAC]  }
0x2d: {  	s3 =	simm.s32 $0x108;
	s8 =	sld [smem:$0x3FAD]  }
0x2e: {  	s3 =	simm.s32 @!p0 $0x1082;
	s9 =	sld [smem:$0x3FAE]  }
0x2f: {  	lr =	sadd.s32 s0, s3;
	s0 =	sld [smem:$0x3FA5]  }
0x30: {  	s3 =	sld [smem:$0x3FA8]  }
0x31: {  	[smem:$0x3FB1] =	sst s10  }
0x32: {  	s10 =	sld [smem:$0x3FAF];
	_ =	sdelay $0x3  }
0x33: {  	p0 =	seq.s32 s10, $0x1;
	s10 =	sld [smem:$0x3FB1];
	_ =	sdelay $0x3  }
0x34: {  	[smem:$0x3FB1] =	sst s10  }
0x35: {  	s10 =	sld [smem:$0x3FB0];
	_ =	sdelay $0x3  }
0x36: {  	p1 =	seq.s32 s10, $0x1;
	s10 =	sld [smem:$0x3FB1];
	_ =	sdelay $0x3  }
0x37: {  	[smem:$0x3FB1] =	sst s10  }
0x38: {  	s10 =	sld [smem:$0x3FB2]  }
0x39: {  	_ = 	snop;
	(pc) =	sbr.ind lr, $3  }
0x3a: {  	_ = 	snop  }
0x3b: {  	_ = 	snop  }
0x3c: {  	p2 =	seq.s32 s10, $0x1;
	s10 =	sld [smem:$0x3FB1]  }
0x3d: {  	_ =	shalt  }
0x3e: {  	_ =	shalt  }
0x3f: {  	_ =	shalt  }
0x40: {  	_ =	shalt  }
0x41: {  	_ =	shalt  }
0x42: {  	_ =	shalt  }
0x43: {  	_ =	shalt  }
0x44: {  	_ =	shalt  }
0x45: {  	_ =	shalt  }
0x46: {  	_ =	shalt  }
0x47: {  	_ =	shalt  }
0x48: {  	_ =	shalt  }
0x49: {  	_ =	shalt  }
0x4a: {  	_ =	shalt  }
0x4b: {  	_ =	shalt  }
0x4c: {  	_ =	shalt  }
0x4d: {  	_ =	shalt  }
0x4e: {  	_ =	shalt  }
0x4f: {  	_ =	shalt  }
0x50: {  	_ =	shalt  }
0x51: {  	_ =	shalt  }
0x52: {  	_ =	shalt  }
0x53: {  	_ =	shalt  }
0x54: {  	_ =	shalt  }
0x55: {  	_ =	shalt  }
0x56: {  	_ =	shalt  }
0x57: {  	_ =	shalt  }
0x58: {  	_ =	shalt  }
0x59: {  	_ =	shalt  }
0x5a: {  	_ =	shalt  }
0x5b: {  	_ =	shalt  }
0x5c: {  	_ =	shalt  }
0x5d: {  	_ =	shalt  }
0x5e: {  	_ =	shalt  }
0x5f: {  	_ =	shalt  }
0x60: {  	_ =	shalt  }
0x61: {  	_ =	shalt  }
0x62: {  	_ =	shalt  }
0x63: {  	_ =	shalt  }
0x64: {  	_ =	shalt  }
0x65: {  	_ =	shalt  }
0x66: {  	_ =	shalt  }
0x67: {  	_ =	shalt  }
0x68: {  	_ =	shalt  }
0x69: {  	_ =	shalt  }
0x6a: {  	_ =	shalt  }
0x6b: {  	_ =	shalt  }
0x6c: {  	_ =	shalt  }
0x6d: {  	_ =	shalt  }
0x6e: {  	_ =	shalt  }
0x6f: {  	_ =	shalt  }
0x70: {  	_ =	shalt  }
0x71: {  	_ =	shalt  }
0x72: {  	_ =	shalt  }
0x73: {  	_ =	shalt  }
0x74: {  	_ =	shalt  }
0x75: {  	_ =	shalt  }
0x76: {  	_ =	shalt  }
0x77: {  	_ =	shalt  }
0x78: {  	_ =	shalt  }
0x79: {  	_ =	shalt  }
0x7a: {  	_ =	shalt  }
0x7b: {  	_ =	shalt  }
0x7c: {  	_ =	shalt  }
0x7d: {  	_ =	shalt  }
0x7e: {  	_ =	shalt  }
0x7f: {  	_ =	shalt  }
0x80: {  	_ =	shalt  }
0x81: {  	_ =	shalt  }
0x82: {  	_ =	shalt  }
0x83: {  	_ =	shalt  }
0x84: {  	_ =	shalt  }
0x85: {  	_ =	shalt  }
0x86: {  	_ =	shalt  }
0x87: {  	_ =	shalt  }
.Lfunc_end0:
.L_simem_size_0:
called_computation_lowered:
.L_overlay_start_0:
0x88: {  	s2 =	sld [smem:$0x3FD9]  }
0x89: {  	s3 =	sld [smem:$0x3FFE];
	_ =	sdelay $0x1  }
0x8a: {  	s1 =	srdreg.scid  }
0x8b: {  	s0 =	sand.u32 $0x1, s1  }
0x8c: {  	s17 =	sshll.u32 s0, $0xA;
	s2 =	sadd.s32 s3, s2  }
0x8d: {  	s2 =	sadd.s32 s2, s17  }
0x8e: {  	[smem:$0x3FBD] =	sst s2  }
0x8f: {  	_ = 	snop  }
0x90: {  	s2 =	sld [smem:$0x3FC9]  }
0x91: {  	s18 =	sld [smem:$0x3FD0];
	(tm) =	ssettm $0x1  }
0x92: {  	s4 =	sld [smem:$0x3FFB];
	_ =	sdelay $0x3  }
0x93: {  	_ =	strace s4  }
0x94: {  	s4 =	sld [smem:$0x3FFC];
	_ =	sdelay $0x3  }
0x95: {  	_ =	strace s4  }
0x96: {  	s4 =	sld [smem:$0x3FFD];
	_ =	sdelay $0x3  }
0x97: {  	_ =	strace s4  }
0x98: {  	_ =	strace $0x8FFFFFFF  }
0x99: {  	s19 =	sld [smem:$0x3FDB];
	_ =	sdelay $0x1  }
0x9a: {  	s5 =	simm.s32 $_scs_section_size  }
0x9b: {  	s6 =	simm.s32 $_size__tile_overlayer_lowered;
	s7 =	simm.s32 $_tile_overlayer_lowered  }
0x9c: {  	s22 =	simm.s32 $0x1BFF;
	s21 =	sshll.u32 s7, $0x1;
	s4 =	sadd.s32 s5, s19  }
0x9d: {  	s8 =	simm.s32 $0x0;
	s20 =	sshll.u32 s6, $0x1;
	s6 =	sadd.s32 s21, s4  }
0x9e: {  	[timem:s8], [sflag:s22] =	dma.local [hbm:s6], s20  }
0x9f: {  	_ =	swait.ge [sflag:s22], s20  }
0xa0: {  	s5 =	ssub.s32 $0x0, s20;
	[sflag:s22] =	ssyncset.done $0x0  }
0xa1: {  	[sflag:s22] =	ssyncadd.s32 s5;
	_ =	sdelay $0x1  }
0xa2: {  	s23 =	simm.s32 $0x1B8B  }
0xa3: {  	_ =	swait.ge [sflag:s23], $0x1  }
0xa4: {  	[sflag:s23] =	ssyncset.done $0x0  }
0xa5: {  	s25 =	simm.s32 $0x1B8E;
	s24 =	sld [smem:$0x3FFE];
	[sflag:s23] =	ssyncadd.s32 $0xFFFFFFFF  }
0xa6: {  	s26 =	simm.s32 $execute0_lowered;
	[smem:$0x3FD2] =	sst s25  }
0xa7: {  	s6 =	sshll.u32 s26, $0x1;
	_ =	strace $0x80000046;
	[dreg:$0x1] =	wrdreg $0xFFFFFFFF  }
0xa8: {  	s28 =	simm.s32 $_size_execute0_lowered;
	s4 =	sadd.s32 s4, s6;
	[dreg:$0x0] =	wrdreg $0x0  }
0xa9: {  	s6 =	sshll.u32 s28, $0x1;
	[dreg:$0x2] =	wrdreg s4  }
0xaa: {  	[dreg:$0x3] =	wrdreg s6  }
0xab: {  	[dreg:$0x4] =	wrdreg $0xC0  }
0xac: {  	_ =	task [dreg:s8], $0x5FFFF  }
0xad: {  	[dreg:$0x1] =	wrdreg $0xFFFFFFFF  }
0xae: {  	[dreg:$0x0] =	wrdreg $0x60  }
0xaf: {  	[dreg:$0x2] =	wrdreg s2  }
0xb0: {  	[dreg:$0x3] =	wrdreg s24  }
0xb1: {  	[dreg:$0x4] =	wrdreg s18  }
0xb2: {  	[dreg:$0x5] =	wrdreg $0xB0000  }
0xb3: {  	[dreg:$0x6] =	wrdreg $0x1F0800  }
0xb4: {  	[dreg:$0x7] =	wrdreg $0x9  }
0xb5: {  	_ =	task.clear_ibuf [dreg:s8], $0x8FFFF;
	_ =	strace $0x90000046  }
0xb6: {  	s29 =	simm.s32 $0x9;
	_ =	strace $0x80000048  }
0xb7: {  	_ =	swait.ge [sflag:s29], $0x1  }
0xb8: {  	[sflag:s29] =	ssyncadd.s32 $0xFFFFFFFF  }
0xb9: {  	_ =	strace $0x90000048  }
0xba: {  	_ =	sfence  }
0xbb: {  	s30 =	sld [smem:$0x0];
	_ =	sdelay $0x2  }
0xbc: {  	s31 =	sshll.u32 s1, $0xD;
	s1 =	sshrl.u32 s1, $0x2  }
0xbd: {  	s3 =	sand.u32 $0x4000, s31;
	s1 =	sadd.s32 s1, s30  }
0xbe: {  	s0 =	sor.u32 s3, s0;
	s1 =	sshll.u32 s1, $0x11  }
0xbf: {  	s0 =	sor.u32 s1, s0  }
0xc0: {  	s0 =	sadd.s32 $0x8F2B, s0  }
0xc1: {  	[sflag:s0] =	ssyncadd.remote.s32 $0x1  }
0xc2: {  	_ =	sfence.sel $0xFFFF  }
0xc3: {  	[dreg:$0x0] =	wrdreg $0xFFFFFFFF;
	(pc) =	sbr.abs _section_cstart, $3  }
0xc4: {  	[dreg:$0x1] =	wrdreg $0xFFFFFFFF  }
0xc5: {  	_ =	task.clear_ibuf [dreg:s8], $0x2FFFF;
	_ =	strace $0x9FFFFFFF  }
0xc6: {  	(tm) =	ssettm $0x7FFFFFFF  }
0xc7: {  	_ =	shalt  }
tec
execute0_lowered:
.L_overlay_start_1:
0x0: {  	(tag) =	ssettag $0x1  }
0x1: {  	s1 =	rddreg [dreg:$0x0]  }
0x2: {  	s6 =	rddreg [dreg:$0x1]  }
0x3: {  	s11 =	rddreg [dreg:$0x2]  }
0x4: {  	s2 =	rddreg [dreg:$0x3]  }
0x5: {  	s4 =	rddreg [dreg:$0x4]  }
0x6: {  	s0 =	rddreg [dreg:$0x5]  }
0x7: {  	s7 =	srdreg.scid;
	s5 =	simm.s32 $0x0;
	s3 =	stileid.u32  }
0x8: {  	s17 =	simm.s32 $0xA800;
	s18 =	simm.s32 $0x1;
	s22 =	smul.u32 $0x14000, s3  }
0x9: {  	s19 =	simm.s32 $0x4000;
	s20 =	simm.s32 $0x50;
	s25 =	smul.u32 $0x50000, s3  }
0xa: {  	s21 =	simm.s32 $0x8000;
	s7 =	sand.u32 $0x1, s7;
	s14 =	smul.u32 $0xA00, s3  }
0xb: {  	s9 =	sshll.u32 s3, $0xB;
	[smem:$0x7FF] =	sst s5;
	s26 =	smul.u32 $0x500, s3  }
0xc: {  	s8 =	sshll.u32 s7, $0xF;
	s10 =	smul.u32 $0x140000, s7;
	_ =	strace $0x80000047  }
0xd: {  	s24 =	ssub.s32 $0x2, s7;
	s30 =	sshll.u32 s7, $0x7;
	s8 =	sor.u32 s9, s8  }
0xe: {  	s13 =	sshrl.u32 s24, $0x1;
	s28 =	sshrl.u32 s25, $0x2;
	s29 =	sshrl.u32 s14, $0x2  }
0xf: {  	s12 =	sadd.s32 s8, s6;
	s23 =	sadd.s32 s22, s10;
	s13 =	ssub.s32 s24, s13  }
0x10: {  	s7 =	sadd.s32 s29, s4;
	s10 =	sor.u32 s30, s26;
	s22 =	simm.s32 $0x1F000  }
0x11: {  	s24 =	simm.s32 $0x10;
	s8 =	sshrl.u32 s23, $0x3;
	s9 =	sadd.s32 $0x3000, s12  }
0x12: {  	s31 =	sshrl.u32 s10, $0x3;
	s14 =	sadd.s32 $0x100, s7;
	s16 =	sadd.s32 $0x200, s7  }
0x13: {  	s23 =	simm.s32 $0x20;
	s15 =	sadd.s32 s8, s6;
	s6 =	sadd.s32 s28, s2  }
0x14: {  	s8 =	sadd.s32 $0x13000, s12;
	s11 =	sadd.s32 s11, s31;
	s12 =	smax.u32 s13, $0x1  }
0x15: {  	v0 =	vimm.f32 $0.0e+00;
	v1 =	vimm.f32 $1.000000000e+00;
	s13 =	sadd.s32 $0x80, s7;
	s10 =	sadd.s32 $0x23000, s15;
	s15 =	sadd.s32 $0x180, s7  }
.LBB2_1:
0x16: {  	s25 =	simm.s32 $0x0;
	s26 =	simm.s32 $0x200  }
.LBB2_2:
0x17: {  	p0 =	sne.s32 s26, $0x1E00;
	[tilespmem:s25+$0xA870] =	vst v0  }
0x18: {  	[tilespmem:s25+$0xA800] =	vst v0  }
0x19: {  	[tilespmem:s25+$0xA810] =	vst v0  }
.Ltmp0:
0x1a: {  	[tilespmem:s25+$0xA820] =	vst v0;
	(pc) =	sbr.rel @p0 .LBB2_2-.Ltmp0, $4  }
0x1b: {  	[tilespmem:s25+$0xA830] =	vst v0  }
0x1c: {  	[tilespmem:s25+$0xA840] =	vst v0  }
0x1d: {  	[tilespmem:s25+$0xA850] =	vst v0  }
0x1e: {  	[tilespmem:s25+$0xA860] =	vst v0;
	s25 =	sshra.s32 s26, $0x2;
	s26 =	sadd.s32 $0x200, s26  }
0x1f: {  	[tilespmem:s25+$0xA870] =	vst v0  }
0x20: {  	[tilespmem:s25+$0xA800] =	vst v0  }
0x21: {  	[tilespmem:s25+$0xA810] =	vst v0  }
0x22: {  	[tilespmem:s25+$0xA820] =	vst v0  }
0x23: {  	[tilespmem:s25+$0xA830] =	vst v0  }
0x24: {  	[tilespmem:s25+$0xA840] =	vst v0  }
0x25: {  	[tilespmem:s25+$0xA850] =	vst v0  }
0x26: {  	[tilespmem:s25+$0xA860] =	vst v0  }
0x27: {  	[tilespmem:$0x1F000] =	vst v1  }
0x28: {  	[tilespmem:$0x1F010] =	vst v1  }
0x29: {  	[tilespmem:$0x1F020] =	vst v1  }
0x2a: {  	[tilespmem:$0x1F030] =	vst v1  }
0x2b: {  	s31 =	sadd.s32 $0x0, s6;
	[tilespmem:$0x1F040] =	vst v1  }
0x2c: {  	[spmem:s31] =	stream.linear.scatter [tilespmem:s17], [sflag:$0x1], $0x800, $0x38;
	[tilespmem:$0x1F300] =	vst v63  }
0x2d: {  	s25 =	simm.s32 $0x2000;
	_ =	swait.ge [sflag:s18], $0x800  }
.LBB2_4:
0x2e: {  	s26 =	sshra.s32 s25, $0x2;
	[sflag:s18] =	ssyncset.done $0x0;
	p0 =	seq.s32 s25, $0x4E000  }
.Ltmp1:
0x2f: {  	s26 =	sadd.s32 s26, s6;
	[sflag:s18] =	ssyncadd.s32 $0xFFFFF800;
	(pc) =	sbr.rel @!p0 .LBB2_4-.Ltmp1, $3  }
0x30: {  	[spmem:s26] =	stream.linear.scatter [tilespmem:s17], [sflag:$0x1], $0x800, $0x38;
	[tilespmem:$0x1F300] =	vst v63  }
0x31: {  	s25 =	sadd.s32 $0x2000, s25;
	_ =	sdelay $0x1  }
0x32: {  	_ =	swait.ge [sflag:s18], $0x800  }
0x33: {  	[sflag:s18] =	ssyncset.done $0x0  }
0x34: {  	[sflag:s18] =	ssyncadd.s32 $0xFFFFF800  }
0x35: {  	[spmem:s7] =	stream.linear.scatter [tilespmem:s17], [sflag:$0x1], $0x80, $0x38;
	[tilespmem:$0x1F300] =	vst v63  }
0x36: {  	_ =	swait.ge [sflag:s18], $0x80  }
0x37: {  	[sflag:s18] =	ssyncset.done $0x0  }
0x38: {  	[sflag:s18] =	ssyncadd.s32 $0xFFFFFF80  }
0x39: {  	[spmem:s13] =	stream.linear.scatter [tilespmem:s17], [sflag:$0x1], $0x80, $0x38;
	[tilespmem:$0x1F300] =	vst v63  }
0x3a: {  	_ =	swait.ge [sflag:s18], $0x80  }
0x3b: {  	[sflag:s18] =	ssyncset.done $0x0  }
0x3c: {  	[sflag:s18] =	ssyncadd.s32 $0xFFFFFF80  }
0x3d: {  	[spmem:s14] =	stream.linear.scatter [tilespmem:s17], [sflag:$0x1], $0x80, $0x38;
	[tilespmem:$0x1F300] =	vst v63  }
0x3e: {  	_ =	swait.ge [sflag:s18], $0x80  }
0x3f: {  	[sflag:s18] =	ssyncset.done $0x0  }
0x40: {  	[sflag:s18] =	ssyncadd.s32 $0xFFFFFF80  }
0x41: {  	[spmem:s15] =	stream.linear.scatter [tilespmem:s17], [sflag:$0x1], $0x80, $0x38;
	[tilespmem:$0x1F300] =	vst v63  }
0x42: {  	_ =	swait.ge [sflag:s18], $0x80  }
0x43: {  	[sflag:s18] =	ssyncset.done $0x0  }
0x44: {  	[sflag:s18] =	ssyncadd.s32 $0xFFFFFF80  }
0x45: {  	[spmem:s16] =	stream.linear.scatter [tilespmem:s17], [sflag:$0x1], $0x80, $0x38;
	[tilespmem:$0x1F300] =	vst v63  }
0x46: {  	_ =	swait.ge [sflag:s18], $0x80  }
0x47: {  	[sflag:s18] =	ssyncset.done $0x0  }
0x48: {  	[sflag:s18] =	ssyncadd.s32 $0xFFFFFF80  }
0x49: {  	s25 =	simm.s32 $0x0;
	[bflag:$0x0] =	sbarrier.arrive $0xFFFF  }
0x4a: {  	[tilespmem:s25], [sflag:$0x1] =	stream.linear.gather [hbm4b:s8+s25], $0x3E80, $0x38;
	[tilespmem:$0x1F300] =	vst v63  }
0x4b: {  	_ =	swait.ge [sflag:s18], $0x3E80  }
0x4c: {  	[sflag:s18] =	ssyncset.done $0x0  }
0x4d: {  	[sflag:s18] =	ssyncadd.s32 $0xFFFFC180  }
0x4e: {  	[tilespmem:s19], [sflag:$0x1] =	stream.linear.gather [hbm4b:s9+s25], $0x3E80, $0x38;
	[tilespmem:$0x1F300] =	vst v63  }
0x4f: {  	_ =	swait.ge [sflag:s18], $0x3E80  }
0x50: {  	[sflag:s18] =	ssyncset.done $0x0  }
0x51: {  	s30 =	simm.s32 $0x0;
	[sflag:s18] =	ssyncadd.s32 $0xFFFFC180  }
0x52: {  	[tilespmem:s21], [sflag:$0x1] =	stream.indirect.gather [hbm4b:s1+s20], $0x80, s30, s20, $0xb8;
	[tilespmem:$0x1F300] =	vst v63  }
0x53: {  	_ =	swait.ge [sflag:s18], $0x2800  }
0x54: {  	[sflag:s18] =	ssyncset.done $0x0  }
0x55: {  	s31 =	simm.s32 $0x4000;
	[sflag:s18] =	ssyncadd.s32 $0xFFFFD800  }
0x56: {  	[spmem:s2] =	stream.indirect.scatter.add.f32 [tilespmem:s21], [sflag:$0x1], $0x80, s31, s20, $0xb8;
	[tilespmem:$0x1F300] =	vst v63  }
0x57: {  	_ =	swait.ge [sflag:s18], $0x2800  }
0x58: {  	[sflag:s18] =	ssyncset.done $0x0  }
0x59: {  	[sflag:s18] =	ssyncadd.s32 $0xFFFFD800  }
0x5a: {  	[spmem:s4] =	stream.indirect.scatter.add.f32 [tilespmem:s22], [sflag:$0x1], $0x1, s31, s20, $0xb8;
	[tilespmem:$0x1F300] =	vst v63  }
0x5b: {  	_ =	swait.ge [sflag:s18], $0x50  }
0x5c: {  	s26 =	simm.s32 $0x400;
	s25 =	simm.s32 $0x200;
	[sflag:s18] =	ssyncset.done $0x0  }
.LBB2_6:
0x5d: {  	s28 =	sshra.s32 s25, $0x2  }
0x5e: {  	[sflag:s18] =	ssyncadd.s32 $0xFFFFFFB0;
	s25 =	smov.u32 s26;
	s29 =	sadd.s32 $0x200, s26  }
0x5f: {  	[tilespmem:s21], [sflag:$0x1] =	stream.indirect.gather [hbm4b:s1+s20], $0x80, s28, s20, $0xb8;
	[tilespmem:$0x1F300] =	vst v63  }
0x60: {  	p0 =	sne.s32 s26, $0xF800;
	_ =	swait.ge [sflag:s18], $0x2800  }
0x61: {  	[sflag:s18] =	ssyncset.done $0x0  }
0x62: {  	s26 =	sadd.s32 $0x4000, s28;
	[sflag:s18] =	ssyncadd.s32 $0xFFFFD800  }
0x63: {  	[spmem:s2] =	stream.indirect.scatter.add.f32 [tilespmem:s21], [sflag:$0x1], $0x80, s26, s20, $0xb8;
	[tilespmem:$0x1F300] =	vst v63  }
0x64: {  	_ =	swait.ge [sflag:s18], $0x2800  }
.Ltmp2:
0x65: {  	[sflag:s18] =	ssyncset.done $0x0;
	(pc) =	sbr.rel @p0 .LBB2_6-.Ltmp2, $4  }
0x66: {  	[sflag:s18] =	ssyncadd.s32 $0xFFFFD800  }
0x67: {  	[spmem:s4] =	stream.indirect.scatter.add.f32 [tilespmem:s22], [sflag:$0x1], $0x1, s26, s20, $0xb8;
	[tilespmem:$0x1F300] =	vst v63  }
0x68: {  	_ =	swait.ge [sflag:s18], $0x50  }
0x69: {  	s26 =	smov.u32 s29;
	[sflag:s18] =	ssyncset.done $0x0  }
0x6a: {  	s25 =	sshra.s32 s25, $0x2;
	[sflag:s18] =	ssyncadd.s32 $0xFFFFFFB0  }
0x6b: {  	[tilespmem:s21], [sflag:$0x1] =	stream.indirect.gather [hbm4b:s1+s20], $0x80, s25, s20, $0xb8;
	[tilespmem:$0x1F300] =	vst v63  }
0x6c: {  	_ =	swait.ge [sflag:s18], $0x2800  }
0x6d: {  	[sflag:s18] =	ssyncset.done $0x0  }
0x6e: {  	s25 =	sadd.s32 $0x4000, s25;
	[sflag:s18] =	ssyncadd.s32 $0xFFFFD800  }
0x6f: {  	[spmem:s2] =	stream.indirect.scatter.add.f32 [tilespmem:s21], [sflag:$0x1], $0x80, s25, s20, $0xb8;
	[tilespmem:$0x1F300] =	vst v63  }
0x70: {  	_ =	swait.ge [sflag:s18], $0x2800  }
0x71: {  	[sflag:s18] =	ssyncset.done $0x0  }
0x72: {  	[sflag:s18] =	ssyncadd.s32 $0xFFFFD800  }
0x73: {  	[spmem:s4] =	stream.indirect.scatter.add.f32 [tilespmem:s22], [sflag:$0x1], $0x1, s25, s20, $0xb8;
	[tilespmem:$0x1F300] =	vst v63  }
0x74: {  	_ =	swait.ge [sflag:s18], $0x50  }
0x75: {  	[sflag:s18] =	ssyncset.done $0x0  }
0x76: {  	s30 =	sshll.u32 s3, $0x6;
	[sflag:s18] =	ssyncadd.s32 $0xFFFFFFB0  }
0x77: {  	s26 =	sshrl.u32 s6, $0x3;
	s25 =	sor.u32 $0x1C01, s30;
	[bflag:$0x0] =	sbarrier.arrive $0xFFFF  }
0x78: {  	[hbm:s10], [sflag:s25] =	dma.local [spmem:s26], $0x2800  }
0x79: {  	s5 =	sadd.s32 $0x1, s5;
	_ =	swait.ge [sflag:s18], $0x2800  }
0x7a: {  	p0 =	sne.s32 s5, s12;
	[sflag:s18] =	ssyncset.done $0x0  }
.Ltmp3:
0x7b: {  	s31 =	sshrl.u32 s7, $0x3;
	[sflag:s18] =	ssyncadd.s32 $0xFFFFD800;
	(pc) =	sbr.rel @p0 .LBB2_1-.Ltmp3, $4  }
0x7c: {  	[hbm:s11@s23], [sflag:s25] =	dma.strided [spmem:s31@s24], $0x50, s18, $0x10   }
0x7d: {  	_ =	swait.ge [sflag:s18], $0x50  }
0x7e: {  	[sflag:s18] =	ssyncset.done $0x0  }
0x7f: {  	[sflag:s18] =	ssyncadd.s32 $0xFFFFFFB0  }
0x80: {  	_ =	sfence.sel $0x180000  }
0x81: {  	[bflag:$0x0] =	sbarrier.arrive $0xFFFF  }
0x82: {  	p0 =	sne.s32 s3, $0x0;
	_ =	strace $0x90000047  }
0x83: {  	s0 =	sadd.s32 @!p0 $0x100000, s0;
	[bflag:$0x2] =	sbarrier.arrive $0xFFFF  }
0x84: {  	[sflag:s0] =	ssyncadd.tile.s32 @!p0 $0x1;
	_ =	shalt  }
.Lfunc_end2:
_tile_overlayer_lowered:
.L_overlay_start_2:
0x85: {  	(tag) =	ssettag $0x2  }
0x86: {  	s0 =	rddreg [dreg:$0x0];
	s2 =	stileid.u32  }
0x87: {  	s1 =	rddreg [dreg:$0x1];
	p0 =	sne.s32 s2, $0x0  }
0x88: {  	s3 =	rddreg [dreg:$0x2];
	[bflag:$0x3] =	sbarrier.arrive $0xFFFF;
	s2 =	simm.s32 @!p0 $0x1C01  }
0x89: {  	[timem:s3], [sflag:s2] =	dma.local @!p0 [hbm:s0], s1  }
0x8a: {  	s0 =	simm.s32 @!p0 $0x1  }
0x8b: {  	_ =	swait.ge @!p0 [sflag:s0], s1  }
0x8c: {  	s1 =	ssub.s32 @!p0 $0x0, s1;
	[sflag:s0] =	ssyncset.done @!p0 $0x0  }
0x8d: {  	[sflag:s0] =	ssyncadd.s32 @!p0 s1  }
0x8e: {  	[bflag:$0x3] =	sbarrier.arrive $0xFFFF  }
0x8f: {  	_ =	shalt  }

</sc_bundles>
